<compile_context>
chip_gen: v7x
topology: tpu7x:2x2x1
jax: 0.10.2.dev20260603
libtpu: 0.0.44.dev20260713+nightly
codegen_flags: <defaults>
</compile_context>

<pallas_src>
import jax
import jax.numpy as jnp
from jax import lax
from jax.experimental import pallas as pl
from jax.experimental.pallas import tpu as pltpu
from jax.experimental.pallas import tpu_sc as plsc

B, C, HP, WP = 4, 96, 112, 112
HO, WO = 224, 224
PLANES = B * C
IN_P = HP * WP * 2
OUT_P = HO * WO * 2
NQ = PLANES * 4
IN_Q = IN_P // 4
OUT_Q = OUT_P // 4
NC, NS, L = 2, 16, 16
NW = NC * NS
QPW = NQ // NW
UNROLL = 8


def _unpool_body(zf, idxf, off_hbm, outf,
                 v0, v1, i0, i1, ob0, ob1, offv,
                 sin0, sin1, sout0, sout1):
    wid = lax.axis_index("s") * NC + lax.axis_index("c")
    pltpu.sync_copy(off_hbm, offv)
    off = offv[...]
    lane = lax.iota(jnp.int32, L)
    comp = lane & 1
    zeros = jnp.zeros((L,), jnp.float32)
    q0 = wid * QPW
    vbufs, ibufs, obufs = (v0, v1), (i0, i1), (ob0, ob1)
    sins, souts = (sin0, sin1), (sout0, sout1)

    def odst(q):
        return outf.at[q // 4, pl.ds((q & 3) * OUT_Q, OUT_Q)]

    def issue_in(q, par):
        src_v = zf.at[q // 4, pl.ds((q & 3) * IN_Q, IN_Q)]
        src_i = idxf.at[q // 4, pl.ds((q & 3) * IN_Q, IN_Q)]
        pltpu.async_copy(src_v, vbufs[par], sins[par])
        pltpu.async_copy(src_i, ibufs[par], sins[par])

    def wait_in(q, par):
        src_v = zf.at[q // 4, pl.ds((q & 3) * IN_Q, IN_Q)]
        src_i = idxf.at[q // 4, pl.ds((q & 3) * IN_Q, IN_Q)]
        pltpu.make_async_copy(src_v, vbufs[par], sins[par]).wait()
        pltpu.make_async_copy(src_i, ibufs[par], sins[par]).wait()

    issue_in(q0, 0)

    def gbody(g, carry):
        for par in range(2):
            step = g * 2 + par
            q = q0 + step

            @pl.when(step + 1 < QPW)
            def _():
                issue_in(q + 1, 1 - par)

            @pl.when(step >= 2)
            def _():
                pltpu.make_async_copy(obufs[par], odst(q - 2), souts[par]).wait()

            ob = obufs[par]

            @plsc.parallel_loop(0, OUT_Q, step=L, unroll=UNROLL)
            def _(t):
                ob[pl.ds(t, L)] = zeros

            wait_in(q, par)
            basew = (q & 3) * OUT_Q
            vv, ii = vbufs[par], ibufs[par]

            @plsc.parallel_loop(0, IN_Q, step=L, unroll=UNROLL)
            def _(t):
                v = vv[pl.ds(t, L)]
                ix = ii[pl.ds(t, L)]
                local = (ix + off) * 2 + comp - basew
                plsc.store_scatter(ob, [local], v)

            pltpu.async_copy(ob, odst(q), souts[par])
        return carry

    lax.fori_loop(0, QPW // 2, gbody, 0)
    for par in range(2):
        q = q0 + QPW - 2 + par
        pltpu.make_async_copy(obufs[par], odst(q), souts[par]).wait()


def kernel(z, indices, output_size):
    zf = z.reshape(PLANES, IN_P)
    idxf = indices.reshape(PLANES, IN_P)
    off = jnp.broadcast_to(jnp.asarray(output_size, jnp.int32) - HO, (L,))
    mesh = plsc.VectorSubcoreMesh(core_axis_name="c", subcore_axis_name="s")
    out = pl.kernel(
        _unpool_body,
        out_type=jax.ShapeDtypeStruct((PLANES, OUT_P), jnp.float32),
        mesh=mesh,
        compiler_params=pltpu.CompilerParams(needs_layout_passes=False),
        scratch_types=[
            pltpu.VMEM((IN_Q,), jnp.float32),
            pltpu.VMEM((IN_Q,), jnp.float32),
            pltpu.VMEM((IN_Q,), jnp.int32),
            pltpu.VMEM((IN_Q,), jnp.int32),
            pltpu.VMEM((OUT_Q,), jnp.float32),
            pltpu.VMEM((OUT_Q,), jnp.float32),
            pltpu.VMEM((L,), jnp.int32),
            pltpu.SemaphoreType.DMA,
            pltpu.SemaphoreType.DMA,
            pltpu.SemaphoreType.DMA,
            pltpu.SemaphoreType.DMA,
        ],
    )(zf, idxf, off)
    return out.reshape(B, C, HO, WO, 2)

# --- scband reference (transcript-rebuilt; emitter-appended) ---
"""Pipeline reference for scband-complex-max-unpool2d-83184926589414 (READ-ONLY COPY).

The authoritative reference and input builder live on the scoring server;
editing this copy changes nothing except your own understanding.
"""

import jax, jax.numpy as jnp
import numpy as np

B, C, Hp, Wp = 4, 96, 112, 112
K = 2
H_OUT, W_OUT = Hp * K, Wp * K  # 224, 224


def setup_inputs(seed: int = 0) -> dict:
    key = jax.random.key(seed)
    k1, k2, k3 = jax.random.split(key, 3)
    z = jax.random.normal(k1, (B, C, Hp, Wp, 2), dtype=jnp.float32)
    # Realistic max-pool indices: within each 2x2 window of the unpooled plane,
    # pick a random (row, col) offset -> collision-free flat indices in [0, H_OUT*W_OUT).
    r = jax.random.randint(k2, (B, C, Hp, Wp, 2), 0, K, dtype=jnp.int32)
    s = jax.random.randint(k3, (B, C, Hp, Wp, 2), 0, K, dtype=jnp.int32)
    base_i = (jnp.arange(Hp, dtype=jnp.int32) * K).reshape(1, 1, Hp, 1, 1)
    base_j = (jnp.arange(Wp, dtype=jnp.int32) * K).reshape(1, 1, 1, Wp, 1)
    indices = (base_i + r) * W_OUT + (base_j + s)
    return {"z": z, "indices": indices, "output_size": 224}


def _max_unpool2d(x, idx, h_out, w_out):
    b, c, h, w = x.shape
    vals = x.reshape(b, c, h * w)
    flat_idx = idx.reshape(b, c, h * w)
    bi = jnp.arange(b)[:, None, None]
    ci = jnp.arange(c)[None, :, None]
    out = jnp.zeros((b, c, h_out * w_out), dtype=x.dtype)
    out = out.at[bi, ci, flat_idx].set(vals)
    return out.reshape(b, c, h_out, w_out)


def reference(z, indices, output_size):
    size_offset = jnp.asarray(output_size, dtype=indices.dtype) - H_OUT
    idx = indices + size_offset
    z_real = _max_unpool2d(z[..., 0], idx[..., 0], H_OUT, W_OUT)
    z_imag = _max_unpool2d(z[..., 1], idx[..., 1], H_OUT, W_OUT)
    return jnp.stack((z_real, z_imag), axis=-1)

if __name__ == "__main__":
    import jax
    _d = setup_inputs()
    print(jax.jit(kernel)(*tuple(_d.values())))

</pallas_src>

<mosaic_0001>
#map = affine_map<(d0, d1) -> (0, 0)>
#map1 = affine_map<(d0, d1) -> (0)>
module attributes {stable_mosaic.version = 14 : i64} {
  func.func @_unpool_body(%arg0: i32, %arg1: i32, %arg2: memref<384x25088xf32, #tpu.memory_space<hbm>>, %arg3: memref<384x25088xi32, #tpu.memory_space<hbm>>, %arg4: memref<16xi32, #tpu.memory_space<hbm>>, %arg5: memref<384x100352xf32, #tpu.memory_space<hbm>>, %arg6: memref<6272xf32, #tpu.memory_space<vmem>>, %arg7: memref<6272xf32, #tpu.memory_space<vmem>>, %arg8: memref<6272xi32, #tpu.memory_space<vmem>>, %arg9: memref<6272xi32, #tpu.memory_space<vmem>>, %arg10: memref<25088xf32, #tpu.memory_space<vmem>>, %arg11: memref<25088xf32, #tpu.memory_space<vmem>>, %arg12: memref<16xi32, #tpu.memory_space<vmem>>, %arg13: memref<!tpu.dma_semaphore, #tpu.memory_space<semaphore_mem>>, %arg14: memref<!tpu.dma_semaphore, #tpu.memory_space<semaphore_mem>>, %arg15: memref<!tpu.dma_semaphore, #tpu.memory_space<semaphore_mem>>, %arg16: memref<!tpu.dma_semaphore, #tpu.memory_space<semaphore_mem>>) attributes {dimension_semantics = [#tpu.dimension_semantics<core_parallel>, #tpu.dimension_semantics<subcore_parallel>], iteration_bounds = array<i64: 2, 16>, scalar_prefetch = 0 : i64, scratch_operands = 11 : i64, tpu.core_type = #tpu.core_type<sc_vector_subcore>, window_params = [{transform_indices = #map}, {transform_indices = #map}, {transform_indices = #map1}, {transform_indices = #map}]} {
    %mul3A = arith.constant 2 : i32
    %mul3A_0 = arith.muli %arg1, %mul3A : i32
    %add3A = arith.addi %mul3A_0, %arg0 : i32
    "tpu.region"() ({
      %run_scoped3A = tpu.sem_alloc : memref<!tpu.dma_semaphore, #tpu.memory_space<semaphore_mem>>
      tpu.enqueue_dma source(%arg4 : memref<16xi32, #tpu.memory_space<hbm>>) target(%arg12 : memref<16xi32, #tpu.memory_space<vmem>>) target_semaphore(%run_scoped3A : memref<!tpu.dma_semaphore, #tpu.memory_space<semaphore_mem>>)
      tpu.wait_dma2 semaphore(%run_scoped3A : memref<!tpu.dma_semaphore, #tpu.memory_space<semaphore_mem>>) src(%arg4 : memref<16xi32, #tpu.memory_space<hbm>>) dst(%arg12 : memref<16xi32, #tpu.memory_space<vmem>>)
      tpu.yield
    }) : () -> ()
    %get3A = arith.constant 0 : index
    %get3A_1 = tpu.vector_load %arg12[%get3A] {strides = array<i32>} : memref<16xi32, #tpu.memory_space<vmem>>, vector<16xi32>,
    %iota3A = tpu.iota {dimensions = array<i32: 0>} : vector<16xi32>
    %and3A = arith.constant 1 : i32
    %and3A_2 = vector.broadcast %and3A : i32 to vector<16xi32>
    %and3A_3 = arith.andi %iota3A, %and3A_2 : vector<16xi32>
    %broadcast_in_dim3A = arith.constant 0.000000e+00 : f32
    %broadcast_in_dim3A_4 = vector.broadcast %broadcast_in_dim3A : f32 to vector<16xf32>
    %mul3A_5 = arith.constant 48 : i32
    %mul3A_6 = arith.muli %add3A, %mul3A_5 : i32
    %jit3A = arith.constant 4 : i32
    %div3A = arith.divsi %mul3A_6, %jit3A : i32
    %sign3A = arith.constant 0 : i32
    %sign3A_7 = arith.cmpi sgt, %mul3A_6, %sign3A : i32
    %sign3A_8 = arith.extui %sign3A_7 : i1 to i32
    %sign3A_9 = arith.constant 0 : i32
    %sign3A_10 = arith.cmpi slt, %mul3A_6, %sign3A_9 : i32
    %sign3A_11 = arith.extui %sign3A_10 : i1 to i32
    %sign3A_12 = arith.subi %sign3A_8, %sign3A_11 : i32
    %sign3A_13 = arith.constant 0 : i32
    %sign3A_14 = arith.cmpi sgt, %jit3A, %sign3A_13 : i32
    %sign3A_15 = arith.extui %sign3A_14 : i1 to i32
    %sign3A_16 = arith.constant 0 : i32
    %sign3A_17 = arith.cmpi slt, %jit3A, %sign3A_16 : i32
    %sign3A_18 = arith.extui %sign3A_17 : i1 to i32
    %sign3A_19 = arith.subi %sign3A_15, %sign3A_18 : i32
    %ne3A = arith.cmpi ne, %sign3A_12, %sign3A_19 : i32
    %rem3A = arith.remsi %mul3A_6, %jit3A : i32
    %ne3A_20 = arith.constant 0 : i32
    %ne3A_21 = arith.cmpi ne, %rem3A, %ne3A_20 : i32
    %and3A_22 = arith.andi %ne3A, %ne3A_21 : i1
    %sub3A = arith.constant 1 : i32
    %sub3A_23 = arith.subi %div3A, %sub3A : i32
    %select_n3A = arith.select %and3A_22, %sub3A_23, %div3A : i32
    %and3A_24 = arith.constant 3 : i32
    %and3A_25 = arith.andi %mul3A_6, %and3A_24 : i32
    %mul3A_26 = arith.constant 6272 : i32
    %mul3A_27 = arith.muli %and3A_25, %mul3A_26 : i32
    %jit3A_28 = arith.constant 4 : i32
    %div3A_29 = arith.divsi %mul3A_6, %jit3A_28 : i32
    %sign3A_30 = arith.constant 0 : i32
    %sign3A_31 = arith.cmpi sgt, %mul3A_6, %sign3A_30 : i32
    %sign3A_32 = arith.extui %sign3A_31 : i1 to i32
    %sign3A_33 = arith.constant 0 : i32
    %sign3A_34 = arith.cmpi slt, %mul3A_6, %sign3A_33 : i32
    %sign3A_35 = arith.extui %sign3A_34 : i1 to i32
    %sign3A_36 = arith.subi %sign3A_32, %sign3A_35 : i32
    %sign3A_37 = arith.constant 0 : i32
    %sign3A_38 = arith.cmpi sgt, %jit3A_28, %sign3A_37 : i32
    %sign3A_39 = arith.extui %sign3A_38 : i1 to i32
    %sign3A_40 = arith.constant 0 : i32
    %sign3A_41 = arith.cmpi slt, %jit3A_28, %sign3A_40 : i32
    %sign3A_42 = arith.extui %sign3A_41 : i1 to i32
    %sign3A_43 = arith.subi %sign3A_39, %sign3A_42 : i32
    %ne3A_44 = arith.cmpi ne, %sign3A_36, %sign3A_43 : i32
    %rem3A_45 = arith.remsi %mul3A_6, %jit3A_28 : i32
    %ne3A_46 = arith.constant 0 : i32
    %ne3A_47 = arith.cmpi ne, %rem3A_45, %ne3A_46 : i32
    %and3A_48 = arith.andi %ne3A_44, %ne3A_47 : i1
    %sub3A_49 = arith.constant 1 : i32
    %sub3A_50 = arith.subi %div3A_29, %sub3A_49 : i32
    %select_n3A_51 = arith.select %and3A_48, %sub3A_50, %div3A_29 : i32
    %and3A_52 = arith.constant 3 : i32
    %and3A_53 = arith.andi %mul3A_6, %and3A_52 : i32
    %mul3A_54 = arith.constant 6272 : i32
    %mul3A_55 = arith.muli %and3A_53, %mul3A_54 : i32
    %dma_start3A = tpu.memref_slice %arg2[%select_n3A, %mul3A_27] : memref<384x25088xf32, #tpu.memory_space<hbm>> -> memref<1x6272xf32, #tpu.memory_space<hbm>>
    %dma_start3A_56 = tpu.memref_squeeze %dma_start3A : memref<1x6272xf32, #tpu.memory_space<hbm>> -> memref<6272xf32, #tpu.memory_space<hbm>>
    %dma_start3A_57 = tpu.memref_slice %arg2[%select_n3A, %mul3A_27] : memref<384x25088xf32, #tpu.memory_space<hbm>> -> memref<1x6272xf32, #tpu.memory_space<hbm>>
    %dma_start3A_58 = tpu.memref_squeeze %dma_start3A_57 : memref<1x6272xf32, #tpu.memory_space<hbm>> -> memref<6272xf32, #tpu.memory_space<hbm>>
    tpu.enqueue_dma source(%dma_start3A_58 : memref<6272xf32, #tpu.memory_space<hbm>>) target(%arg6 : memref<6272xf32, #tpu.memory_space<vmem>>) target_semaphore(%arg13 : memref<!tpu.dma_semaphore, #tpu.memory_space<semaphore_mem>>)
    %dma_start3A_59 = tpu.memref_slice %arg3[%select_n3A_51, %mul3A_55] : memref<384x25088xi32, #tpu.memory_space<hbm>> -> memref<1x6272xi32, #tpu.memory_space<hbm>>
    %dma_start3A_60 = tpu.memref_squeeze %dma_start3A_59 : memref<1x6272xi32, #tpu.memory_space<hbm>> -> memref<6272xi32, #tpu.memory_space<hbm>>
    %dma_start3A_61 = tpu.memref_slice %arg3[%select_n3A_51, %mul3A_55] : memref<384x25088xi32, #tpu.memory_space<hbm>> -> memref<1x6272xi32, #tpu.memory_space<hbm>>
    %dma_start3A_62 = tpu.memref_squeeze %dma_start3A_61 : memref<1x6272xi32, #tpu.memory_space<hbm>> -> memref<6272xi32, #tpu.memory_space<hbm>>
    tpu.enqueue_dma source(%dma_start3A_62 : memref<6272xi32, #tpu.memory_space<hbm>>) target(%arg8 : memref<6272xi32, #tpu.memory_space<vmem>>) target_semaphore(%arg13 : memref<!tpu.dma_semaphore, #tpu.memory_space<semaphore_mem>>)
    %scan3A = arith.constant 0 : i32
    %scan3A_63 = arith.constant 0 : i32
    %scan3A_64 = arith.constant 24 : i32
    %scan3A_65 = arith.addi %scan3A_63, %scan3A_64 : i32
    %scan3A_66 = arith.constant 1 : i32
    scf.for %scan3A_143 = %scan3A_63 to %scan3A_65 step %scan3A_66  : i32 {
      %mul3A_144 = arith.constant 2 : i32
      %mul3A_145 = arith.muli %scan3A_143, %mul3A_144 : i32
      %add3A_146 = arith.constant 0 : i32
      %add3A_147 = arith.addi %mul3A_145, %add3A_146 : i32
      %add3A_148 = arith.addi %mul3A_6, %add3A_147 : i32
      %add3A_149 = arith.constant 1 : i32
      %add3A_150 = arith.addi %add3A_147, %add3A_149 : i32
      %lt3A = arith.constant 48 : i32
      %lt3A_151 = arith.cmpi slt, %add3A_150, %lt3A : i32
      %convert_element_type3A = arith.extui %lt3A_151 : i1 to i32
      %cond3A = arith.constant 0 : i32
      %cond3A_152 = arith.cmpi ne, %convert_element_type3A, %cond3A : i32
      scf.if %cond3A_152 {
        %add3A_385 = arith.constant 1 : i32
        %add3A_386 = arith.addi %add3A_148, %add3A_385 : i32
        %jit3A_387 = arith.constant 4 : i32
        %div3A_388 = arith.divsi %add3A_386, %jit3A_387 : i32
        %sign3A_389 = arith.constant 0 : i32
        %sign3A_390 = arith.cmpi sgt, %add3A_386, %sign3A_389 : i32
        %sign3A_391 = arith.extui %sign3A_390 : i1 to i32
        %sign3A_392 = arith.constant 0 : i32
        %sign3A_393 = arith.cmpi slt, %add3A_386, %sign3A_392 : i32
        %sign3A_394 = arith.extui %sign3A_393 : i1 to i32
        %sign3A_395 = arith.subi %sign3A_391, %sign3A_394 : i32
        %sign3A_396 = arith.constant 0 : i32
        %sign3A_397 = arith.cmpi sgt, %jit3A_387, %sign3A_396 : i32
        %sign3A_398 = arith.extui %sign3A_397 : i1 to i32
        %sign3A_399 = arith.constant 0 : i32
        %sign3A_400 = arith.cmpi slt, %jit3A_387, %sign3A_399 : i32
        %sign3A_401 = arith.extui %sign3A_400 : i1 to i32
        %sign3A_402 = arith.subi %sign3A_398, %sign3A_401 : i32
        %ne3A_403 = arith.cmpi ne, %sign3A_395, %sign3A_402 : i32
        %rem3A_404 = arith.remsi %add3A_386, %jit3A_387 : i32
        %ne3A_405 = arith.constant 0 : i32
        %ne3A_406 = arith.cmpi ne, %rem3A_404, %ne3A_405 : i32
        %and3A_407 = arith.andi %ne3A_403, %ne3A_406 : i1
        %sub3A_408 = arith.constant 1 : i32
        %sub3A_409 = arith.subi %div3A_388, %sub3A_408 : i32
        %select_n3A_410 = arith.select %and3A_407, %sub3A_409, %div3A_388 : i32
        %and3A_411 = arith.constant 3 : i32
        %and3A_412 = arith.andi %add3A_386, %and3A_411 : i32
        %mul3A_413 = arith.constant 6272 : i32
        %mul3A_414 = arith.muli %and3A_412, %mul3A_413 : i32
        %jit3A_415 = arith.constant 4 : i32
        %div3A_416 = arith.divsi %add3A_386, %jit3A_415 : i32
        %sign3A_417 = arith.constant 0 : i32
        %sign3A_418 = arith.cmpi sgt, %add3A_386, %sign3A_417 : i32
        %sign3A_419 = arith.extui %sign3A_418 : i1 to i32
        %sign3A_420 = arith.constant 0 : i32
        %sign3A_421 = arith.cmpi slt, %add3A_386, %sign3A_420 : i32
        %sign3A_422 = arith.extui %sign3A_421 : i1 to i32
        %sign3A_423 = arith.subi %sign3A_419, %sign3A_422 : i32
        %sign3A_424 = arith.constant 0 : i32
        %sign3A_425 = arith.cmpi sgt, %jit3A_415, %sign3A_424 : i32
        %sign3A_426 = arith.extui %sign3A_425 : i1 to i32
        %sign3A_427 = arith.constant 0 : i32
        %sign3A_428 = arith.cmpi slt, %jit3A_415, %sign3A_427 : i32
        %sign3A_429 = arith.extui %sign3A_428 : i1 to i32
        %sign3A_430 = arith.subi %sign3A_426, %sign3A_429 : i32
        %ne3A_431 = arith.cmpi ne, %sign3A_423, %sign3A_430 : i32
        %rem3A_432 = arith.remsi %add3A_386, %jit3A_415 : i32
        %ne3A_433 = arith.constant 0 : i32
        %ne3A_434 = arith.cmpi ne, %rem3A_432, %ne3A_433 : i32
        %and3A_435 = arith.andi %ne3A_431, %ne3A_434 : i1
        %sub3A_436 = arith.constant 1 : i32
        %sub3A_437 = arith.subi %div3A_416, %sub3A_436 : i32
        %select_n3A_438 = arith.select %and3A_435, %sub3A_437, %div3A_416 : i32
        %and3A_439 = arith.constant 3 : i32
        %and3A_440 = arith.andi %add3A_386, %and3A_439 : i32
        %mul3A_441 = arith.constant 6272 : i32
        %mul3A_442 = arith.muli %and3A_440, %mul3A_441 : i32
        %dma_start3A_443 = tpu.memref_slice %arg2[%select_n3A_410, %mul3A_414] : memref<384x25088xf32, #tpu.memory_space<hbm>> -> memref<1x6272xf32, #tpu.memory_space<hbm>>
        %dma_start3A_444 = tpu.memref_squeeze %dma_start3A_443 : memref<1x6272xf32, #tpu.memory_space<hbm>> -> memref<6272xf32, #tpu.memory_space<hbm>>
        %dma_start3A_445 = tpu.memref_slice %arg2[%select_n3A_410, %mul3A_414] : memref<384x25088xf32, #tpu.memory_space<hbm>> -> memref<1x6272xf32, #tpu.memory_space<hbm>>
        %dma_start3A_446 = tpu.memref_squeeze %dma_start3A_445 : memref<1x6272xf32, #tpu.memory_space<hbm>> -> memref<6272xf32, #tpu.memory_space<hbm>>
        tpu.enqueue_dma source(%dma_start3A_446 : memref<6272xf32, #tpu.memory_space<hbm>>) target(%arg7 : memref<6272xf32, #tpu.memory_space<vmem>>) target_semaphore(%arg14 : memref<!tpu.dma_semaphore, #tpu.memory_space<semaphore_mem>>)
        %dma_start3A_447 = tpu.memref_slice %arg3[%select_n3A_438, %mul3A_442] : memref<384x25088xi32, #tpu.memory_space<hbm>> -> memref<1x6272xi32, #tpu.memory_space<hbm>>
        %dma_start3A_448 = tpu.memref_squeeze %dma_start3A_447 : memref<1x6272xi32, #tpu.memory_space<hbm>> -> memref<6272xi32, #tpu.memory_space<hbm>>
        %dma_start3A_449 = tpu.memref_slice %arg3[%select_n3A_438, %mul3A_442] : memref<384x25088xi32, #tpu.memory_space<hbm>> -> memref<1x6272xi32, #tpu.memory_space<hbm>>
        %dma_start3A_450 = tpu.memref_squeeze %dma_start3A_449 : memref<1x6272xi32, #tpu.memory_space<hbm>> -> memref<6272xi32, #tpu.memory_space<hbm>>
        tpu.enqueue_dma source(%dma_start3A_450 : memref<6272xi32, #tpu.memory_space<hbm>>) target(%arg9 : memref<6272xi32, #tpu.memory_space<vmem>>) target_semaphore(%arg14 : memref<!tpu.dma_semaphore, #tpu.memory_space<semaphore_mem>>)
      } else {
      }
      %ge3A = arith.constant 2 : i32
      %ge3A_153 = arith.cmpi sge, %add3A_147, %ge3A : i32
      %convert_element_type3A_154 = arith.extui %ge3A_153 : i1 to i32
      %cond3A_155 = arith.constant 0 : i32
      %cond3A_156 = arith.cmpi ne, %convert_element_type3A_154, %cond3A_155 : i32
      scf.if %cond3A_156 {
        %sub3A_385 = arith.constant 2 : i32
        %sub3A_386 = arith.subi %add3A_148, %sub3A_385 : i32
        %jit3A_387 = arith.constant 4 : i32
        %div3A_388 = arith.divsi %sub3A_386, %jit3A_387 : i32
        %sign3A_389 = arith.constant 0 : i32
        %sign3A_390 = arith.cmpi sgt, %sub3A_386, %sign3A_389 : i32
        %sign3A_391 = arith.extui %sign3A_390 : i1 to i32
        %sign3A_392 = arith.constant 0 : i32
        %sign3A_393 = arith.cmpi slt, %sub3A_386, %sign3A_392 : i32
        %sign3A_394 = arith.extui %sign3A_393 : i1 to i32
        %sign3A_395 = arith.subi %sign3A_391, %sign3A_394 : i32
        %sign3A_396 = arith.constant 0 : i32
        %sign3A_397 = arith.cmpi sgt, %jit3A_387, %sign3A_396 : i32
        %sign3A_398 = arith.extui %sign3A_397 : i1 to i32
        %sign3A_399 = arith.constant 0 : i32
        %sign3A_400 = arith.cmpi slt, %jit3A_387, %sign3A_399 : i32
        %sign3A_401 = arith.extui %sign3A_400 : i1 to i32
        %sign3A_402 = arith.subi %sign3A_398, %sign3A_401 : i32
        %ne3A_403 = arith.cmpi ne, %sign3A_395, %sign3A_402 : i32
        %rem3A_404 = arith.remsi %sub3A_386, %jit3A_387 : i32
        %ne3A_405 = arith.constant 0 : i32
        %ne3A_406 = arith.cmpi ne, %rem3A_404, %ne3A_405 : i32
        %and3A_407 = arith.andi %ne3A_403, %ne3A_406 : i1
        %sub3A_408 = arith.constant 1 : i32
        %sub3A_409 = arith.subi %div3A_388, %sub3A_408 : i32
        %select_n3A_410 = arith.select %and3A_407, %sub3A_409, %div3A_388 : i32
        %and3A_411 = arith.constant 3 : i32
        %and3A_412 = arith.andi %sub3A_386, %and3A_411 : i32
        %mul3A_413 = arith.constant 25088 : i32
        %mul3A_414 = arith.muli %and3A_412, %mul3A_413 : i32
        %dma_wait3A_415 = tpu.memref_slice %arg5[%select_n3A_410, %mul3A_414] : memref<384x100352xf32, #tpu.memory_space<hbm>> -> memref<1x25088xf32, #tpu.memory_space<hbm>>
        %dma_wait3A_416 = tpu.memref_squeeze %dma_wait3A_415 : memref<1x25088xf32, #tpu.memory_space<hbm>> -> memref<25088xf32, #tpu.memory_space<hbm>>
        %dma_wait3A_417 = tpu.memref_slice %arg5[%select_n3A_410, %mul3A_414] : memref<384x100352xf32, #tpu.memory_space<hbm>> -> memref<1x25088xf32, #tpu.memory_space<hbm>>
        %dma_wait3A_418 = tpu.memref_squeeze %dma_wait3A_417 : memref<1x25088xf32, #tpu.memory_space<hbm>> -> memref<25088xf32, #tpu.memory_space<hbm>>
        tpu.wait_dma2 semaphore(%arg15 : memref<!tpu.dma_semaphore, #tpu.memory_space<semaphore_mem>>) src(%arg10 : memref<25088xf32, #tpu.memory_space<vmem>>) dst(%dma_wait3A_418 : memref<25088xf32, #tpu.memory_space<hbm>>)
      } else {
      }
      %parallel_loop3A = arith.constant 0 : i32
      %parallel_loop3A_157 = arith.constant 25088 : i32
      %parallel_loop3A_158 = arith.constant 16 : i32
      scf.for %parallel_loop3A_385 = %parallel_loop3A to %parallel_loop3A_157 step %parallel_loop3A_158  : i32 {
        %parallel_loop3A_386 = arith.index_cast %parallel_loop3A_385 : i32 to index
        %parallel_loop3A_387 = tpu.vector_load %arg10[%parallel_loop3A_386] {strides = array<i32>} : memref<25088xf32, #tpu.memory_space<vmem>>, vector<16xf32>,
        tpu.vector_store %arg10[%parallel_loop3A_386], %broadcast_in_dim3A_4 {strides = array<i32>} : memref<25088xf32, #tpu.memory_space<vmem>>, vector<16xf32>,
      } {sc.loop_unroll_factor = 8 : i64, sc.parallel_access}
      %jit3A_159 = arith.constant 4 : i32
      %div3A_160 = arith.divsi %add3A_148, %jit3A_159 : i32
      %sign3A_161 = arith.constant 0 : i32
      %sign3A_162 = arith.cmpi sgt, %add3A_148, %sign3A_161 : i32
      %sign3A_163 = arith.extui %sign3A_162 : i1 to i32
      %sign3A_164 = arith.constant 0 : i32
      %sign3A_165 = arith.cmpi slt, %add3A_148, %sign3A_164 : i32
      %sign3A_166 = arith.extui %sign3A_165 : i1 to i32
      %sign3A_167 = arith.subi %sign3A_163, %sign3A_166 : i32
      %sign3A_168 = arith.constant 0 : i32
      %sign3A_169 = arith.cmpi sgt, %jit3A_159, %sign3A_168 : i32
      %sign3A_170 = arith.extui %sign3A_169 : i1 to i32
      %sign3A_171 = arith.constant 0 : i32
      %sign3A_172 = arith.cmpi slt, %jit3A_159, %sign3A_171 : i32
      %sign3A_173 = arith.extui %sign3A_172 : i1 to i32
      %sign3A_174 = arith.subi %sign3A_170, %sign3A_173 : i32
      %ne3A_175 = arith.cmpi ne, %sign3A_167, %sign3A_174 : i32
      %rem3A_176 = arith.remsi %add3A_148, %jit3A_159 : i32
      %ne3A_177 = arith.constant 0 : i32
      %ne3A_178 = arith.cmpi ne, %rem3A_176, %ne3A_177 : i32
      %and3A_179 = arith.andi %ne3A_175, %ne3A_178 : i1
      %sub3A_180 = arith.constant 1 : i32
      %sub3A_181 = arith.subi %div3A_160, %sub3A_180 : i32
      %select_n3A_182 = arith.select %and3A_179, %sub3A_181, %div3A_160 : i32
      %and3A_183 = arith.constant 3 : i32
      %and3A_184 = arith.andi %add3A_148, %and3A_183 : i32
      %mul3A_185 = arith.constant 6272 : i32
      %mul3A_186 = arith.muli %and3A_184, %mul3A_185 : i32
      %jit3A_187 = arith.constant 4 : i32
      %div3A_188 = arith.divsi %add3A_148, %jit3A_187 : i32
      %sign3A_189 = arith.constant 0 : i32
      %sign3A_190 = arith.cmpi sgt, %add3A_148, %sign3A_189 : i32
      %sign3A_191 = arith.extui %sign3A_190 : i1 to i32
      %sign3A_192 = arith.constant 0 : i32
      %sign3A_193 = arith.cmpi slt, %add3A_148, %sign3A_192 : i32
      %sign3A_194 = arith.extui %sign3A_193 : i1 to i32
      %sign3A_195 = arith.subi %sign3A_191, %sign3A_194 : i32
      %sign3A_196 = arith.constant 0 : i32
      %sign3A_197 = arith.cmpi sgt, %jit3A_187, %sign3A_196 : i32
      %sign3A_198 = arith.extui %sign3A_197 : i1 to i32
      %sign3A_199 = arith.constant 0 : i32
      %sign3A_200 = arith.cmpi slt, %jit3A_187, %sign3A_199 : i32
      %sign3A_201 = arith.extui %sign3A_200 : i1 to i32
      %sign3A_202 = arith.subi %sign3A_198, %sign3A_201 : i32
      %ne3A_203 = arith.cmpi ne, %sign3A_195, %sign3A_202 : i32
      %rem3A_204 = arith.remsi %add3A_148, %jit3A_187 : i32
      %ne3A_205 = arith.constant 0 : i32
      %ne3A_206 = arith.cmpi ne, %rem3A_204, %ne3A_205 : i32
      %and3A_207 = arith.andi %ne3A_203, %ne3A_206 : i1
      %sub3A_208 = arith.constant 1 : i32
      %sub3A_209 = arith.subi %div3A_188, %sub3A_208 : i32
      %select_n3A_210 = arith.select %and3A_207, %sub3A_209, %div3A_188 : i32
      %and3A_211 = arith.constant 3 : i32
      %and3A_212 = arith.andi %add3A_148, %and3A_211 : i32
      %mul3A_213 = arith.constant 6272 : i32
      %mul3A_214 = arith.muli %and3A_212, %mul3A_213 : i32
      %dma_wait3A_215 = tpu.memref_slice %arg2[%select_n3A_182, %mul3A_186] : memref<384x25088xf32, #tpu.memory_space<hbm>> -> memref<1x6272xf32, #tpu.memory_space<hbm>>
      %dma_wait3A_216 = tpu.memref_squeeze %dma_wait3A_215 : memref<1x6272xf32, #tpu.memory_space<hbm>> -> memref<6272xf32, #tpu.memory_space<hbm>>
      %dma_wait3A_217 = tpu.memref_slice %arg2[%select_n3A_182, %mul3A_186] : memref<384x25088xf32, #tpu.memory_space<hbm>> -> memref<1x6272xf32, #tpu.memory_space<hbm>>
      %dma_wait3A_218 = tpu.memref_squeeze %dma_wait3A_217 : memref<1x6272xf32, #tpu.memory_space<hbm>> -> memref<6272xf32, #tpu.memory_space<hbm>>
      tpu.wait_dma2 semaphore(%arg13 : memref<!tpu.dma_semaphore, #tpu.memory_space<semaphore_mem>>) src(%dma_wait3A_218 : memref<6272xf32, #tpu.memory_space<hbm>>) dst(%arg6 : memref<6272xf32, #tpu.memory_space<vmem>>)
      %dma_wait3A_219 = tpu.memref_slice %arg3[%select_n3A_210, %mul3A_214] : memref<384x25088xi32, #tpu.memory_space<hbm>> -> memref<1x6272xi32, #tpu.memory_space<hbm>>
      %dma_wait3A_220 = tpu.memref_squeeze %dma_wait3A_219 : memref<1x6272xi32, #tpu.memory_space<hbm>> -> memref<6272xi32, #tpu.memory_space<hbm>>
      %dma_wait3A_221 = tpu.memref_slice %arg3[%select_n3A_210, %mul3A_214] : memref<384x25088xi32, #tpu.memory_space<hbm>> -> memref<1x6272xi32, #tpu.memory_space<hbm>>
      %dma_wait3A_222 = tpu.memref_squeeze %dma_wait3A_221 : memref<1x6272xi32, #tpu.memory_space<hbm>> -> memref<6272xi32, #tpu.memory_space<hbm>>
      tpu.wait_dma2 semaphore(%arg13 : memref<!tpu.dma_semaphore, #tpu.memory_space<semaphore_mem>>) src(%dma_wait3A_222 : memref<6272xi32, #tpu.memory_space<hbm>>) dst(%arg8 : memref<6272xi32, #tpu.memory_space<vmem>>)
      %and3A_223 = arith.constant 3 : i32
      %and3A_224 = arith.andi %add3A_148, %and3A_223 : i32
      %mul3A_225 = arith.constant 25088 : i32
      %mul3A_226 = arith.muli %and3A_224, %mul3A_225 : i32
      %parallel_loop3A_227 = arith.constant 0 : i32
      %parallel_loop3A_228 = arith.constant 6272 : i32
      %parallel_loop3A_229 = arith.constant 16 : i32
      scf.for %parallel_loop3A_385 = %parallel_loop3A_227 to %parallel_loop3A_228 step %parallel_loop3A_229  : i32 {
        %parallel_loop3A_386 = arith.index_cast %parallel_loop3A_385 : i32 to index
        %parallel_loop3A_387 = tpu.vector_load %arg6[%parallel_loop3A_386] {strides = array<i32>} : memref<6272xf32, #tpu.memory_space<vmem>>, vector<16xf32>,
        %parallel_loop3A_388 = arith.index_cast %parallel_loop3A_385 : i32 to index
        %parallel_loop3A_389 = tpu.vector_load %arg8[%parallel_loop3A_388] {strides = array<i32>} : memref<6272xi32, #tpu.memory_space<vmem>>, vector<16xi32>,
        %parallel_loop3A_390 = arith.addi %parallel_loop3A_389, %get3A_1 : vector<16xi32>
        %parallel_loop3A_391 = arith.constant 2 : i32
        %parallel_loop3A_392 = vector.broadcast %parallel_loop3A_391 : i32 to vector<16xi32>
        %parallel_loop3A_393 = arith.muli %parallel_loop3A_390, %parallel_loop3A_392 : vector<16xi32>
        %parallel_loop3A_394 = arith.addi %parallel_loop3A_393, %and3A_3 : vector<16xi32>
        %parallel_loop3A_395 = vector.broadcast %mul3A_226 : i32 to vector<16xi32>
        %parallel_loop3A_396 = arith.subi %parallel_loop3A_394, %parallel_loop3A_395 : vector<16xi32>
        tpu.vector_store_idx %arg10[%parallel_loop3A_396], %parallel_loop3A_387 : memref<25088xf32, #tpu.memory_space<vmem>>[vector<16xi32>], vector<16xf32>,
      } {sc.loop_unroll_factor = 8 : i64, sc.parallel_access}
      %jit3A_230 = arith.constant 4 : i32
      %div3A_231 = arith.divsi %add3A_148, %jit3A_230 : i32
      %sign3A_232 = arith.constant 0 : i32
      %sign3A_233 = arith.cmpi sgt, %add3A_148, %sign3A_232 : i32
      %sign3A_234 = arith.extui %sign3A_233 : i1 to i32
      %sign3A_235 = arith.constant 0 : i32
      %sign3A_236 = arith.cmpi slt, %add3A_148, %sign3A_235 : i32
      %sign3A_237 = arith.extui %sign3A_236 : i1 to i32
      %sign3A_238 = arith.subi %sign3A_234, %sign3A_237 : i32
      %sign3A_239 = arith.constant 0 : i32
      %sign3A_240 = arith.cmpi sgt, %jit3A_230, %sign3A_239 : i32
      %sign3A_241 = arith.extui %sign3A_240 : i1 to i32
      %sign3A_242 = arith.constant 0 : i32
      %sign3A_243 = arith.cmpi slt, %jit3A_230, %sign3A_242 : i32
      %sign3A_244 = arith.extui %sign3A_243 : i1 to i32
      %sign3A_245 = arith.subi %sign3A_241, %sign3A_244 : i32
      %ne3A_246 = arith.cmpi ne, %sign3A_238, %sign3A_245 : i32
      %rem3A_247 = arith.remsi %add3A_148, %jit3A_230 : i32
      %ne3A_248 = arith.constant 0 : i32
      %ne3A_249 = arith.cmpi ne, %rem3A_247, %ne3A_248 : i32
      %and3A_250 = arith.andi %ne3A_246, %ne3A_249 : i1
      %sub3A_251 = arith.constant 1 : i32
      %sub3A_252 = arith.subi %div3A_231, %sub3A_251 : i32
      %select_n3A_253 = arith.select %and3A_250, %sub3A_252, %div3A_231 : i32
      %and3A_254 = arith.constant 3 : i32
      %and3A_255 = arith.andi %add3A_148, %and3A_254 : i32
      %mul3A_256 = arith.constant 25088 : i32
      %mul3A_257 = arith.muli %and3A_255, %mul3A_256 : i32
      %dma_start3A_258 = tpu.memref_slice %arg5[%select_n3A_253, %mul3A_257] : memref<384x100352xf32, #tpu.memory_space<hbm>> -> memref<1x25088xf32, #tpu.memory_space<hbm>>
      %dma_start3A_259 = tpu.memref_squeeze %dma_start3A_258 : memref<1x25088xf32, #tpu.memory_space<hbm>> -> memref<25088xf32, #tpu.memory_space<hbm>>
      %dma_start3A_260 = tpu.memref_slice %arg5[%select_n3A_253, %mul3A_257] : memref<384x100352xf32, #tpu.memory_space<hbm>> -> memref<1x25088xf32, #tpu.memory_space<hbm>>
      %dma_start3A_261 = tpu.memref_squeeze %dma_start3A_260 : memref<1x25088xf32, #tpu.memory_space<hbm>> -> memref<25088xf32, #tpu.memory_space<hbm>>
      tpu.enqueue_dma source(%arg10 : memref<25088xf32, #tpu.memory_space<vmem>>) target(%dma_start3A_261 : memref<25088xf32, #tpu.memory_space<hbm>>) target_semaphore(%arg15 : memref<!tpu.dma_semaphore, #tpu.memory_space<semaphore_mem>>)
      %mul3A_262 = arith.constant 2 : i32
      %mul3A_263 = arith.muli %scan3A_143, %mul3A_262 : i32
      %add3A_264 = arith.constant 1 : i32
      %add3A_265 = arith.addi %mul3A_263, %add3A_264 : i32
      %add3A_266 = arith.addi %mul3A_6, %add3A_265 : i32
      %add3A_267 = arith.constant 1 : i32
      %add3A_268 = arith.addi %add3A_265, %add3A_267 : i32
      %lt3A_269 = arith.constant 48 : i32
      %lt3A_270 = arith.cmpi slt, %add3A_268, %lt3A_269 : i32
      %convert_element_type3A_271 = arith.extui %lt3A_270 : i1 to i32
      %cond3A_272 = arith.constant 0 : i32
      %cond3A_273 = arith.cmpi ne, %convert_element_type3A_271, %cond3A_272 : i32
      scf.if %cond3A_273 {
        %add3A_385 = arith.constant 1 : i32
        %add3A_386 = arith.addi %add3A_266, %add3A_385 : i32
        %jit3A_387 = arith.constant 4 : i32
        %div3A_388 = arith.divsi %add3A_386, %jit3A_387 : i32
        %sign3A_389 = arith.constant 0 : i32
        %sign3A_390 = arith.cmpi sgt, %add3A_386, %sign3A_389 : i32
        %sign3A_391 = arith.extui %sign3A_390 : i1 to i32
        %sign3A_392 = arith.constant 0 : i32
        %sign3A_393 = arith.cmpi slt, %add3A_386, %sign3A_392 : i32
        %sign3A_394 = arith.extui %sign3A_393 : i1 to i32
        %sign3A_395 = arith.subi %sign3A_391, %sign3A_394 : i32
        %sign3A_396 = arith.constant 0 : i32
        %sign3A_397 = arith.cmpi sgt, %jit3A_387, %sign3A_396 : i32
        %sign3A_398 = arith.extui %sign3A_397 : i1 to i32
        %sign3A_399 = arith.constant 0 : i32
        %sign3A_400 = arith.cmpi slt, %jit3A_387, %sign3A_399 : i32
        %sign3A_401 = arith.extui %sign3A_400 : i1 to i32
        %sign3A_402 = arith.subi %sign3A_398, %sign3A_401 : i32
        %ne3A_403 = arith.cmpi ne, %sign3A_395, %sign3A_402 : i32
        %rem3A_404 = arith.remsi %add3A_386, %jit3A_387 : i32
        %ne3A_405 = arith.constant 0 : i32
        %ne3A_406 = arith.cmpi ne, %rem3A_404, %ne3A_405 : i32
        %and3A_407 = arith.andi %ne3A_403, %ne3A_406 : i1
        %sub3A_408 = arith.constant 1 : i32
        %sub3A_409 = arith.subi %div3A_388, %sub3A_408 : i32
        %select_n3A_410 = arith.select %and3A_407, %sub3A_409, %div3A_388 : i32
        %and3A_411 = arith.constant 3 : i32
        %and3A_412 = arith.andi %add3A_386, %and3A_411 : i32
        %mul3A_413 = arith.constant 6272 : i32
        %mul3A_414 = arith.muli %and3A_412, %mul3A_413 : i32
        %jit3A_415 = arith.constant 4 : i32
        %div3A_416 = arith.divsi %add3A_386, %jit3A_415 : i32
        %sign3A_417 = arith.constant 0 : i32
        %sign3A_418 = arith.cmpi sgt, %add3A_386, %sign3A_417 : i32
        %sign3A_419 = arith.extui %sign3A_418 : i1 to i32
        %sign3A_420 = arith.constant 0 : i32
        %sign3A_421 = arith.cmpi slt, %add3A_386, %sign3A_420 : i32
        %sign3A_422 = arith.extui %sign3A_421 : i1 to i32
        %sign3A_423 = arith.subi %sign3A_419, %sign3A_422 : i32
        %sign3A_424 = arith.constant 0 : i32
        %sign3A_425 = arith.cmpi sgt, %jit3A_415, %sign3A_424 : i32
        %sign3A_426 = arith.extui %sign3A_425 : i1 to i32
        %sign3A_427 = arith.constant 0 : i32
        %sign3A_428 = arith.cmpi slt, %jit3A_415, %sign3A_427 : i32
        %sign3A_429 = arith.extui %sign3A_428 : i1 to i32
        %sign3A_430 = arith.subi %sign3A_426, %sign3A_429 : i32
        %ne3A_431 = arith.cmpi ne, %sign3A_423, %sign3A_430 : i32
        %rem3A_432 = arith.remsi %add3A_386, %jit3A_415 : i32
        %ne3A_433 = arith.constant 0 : i32
        %ne3A_434 = arith.cmpi ne, %rem3A_432, %ne3A_433 : i32
        %and3A_435 = arith.andi %ne3A_431, %ne3A_434 : i1
        %sub3A_436 = arith.constant 1 : i32
        %sub3A_437 = arith.subi %div3A_416, %sub3A_436 : i32
        %select_n3A_438 = arith.select %and3A_435, %sub3A_437, %div3A_416 : i32
        %and3A_439 = arith.constant 3 : i32
        %and3A_440 = arith.andi %add3A_386, %and3A_439 : i32
        %mul3A_441 = arith.constant 6272 : i32
        %mul3A_442 = arith.muli %and3A_440, %mul3A_441 : i32
        %dma_start3A_443 = tpu.memref_slice %arg2[%select_n3A_410, %mul3A_414] : memref<384x25088xf32, #tpu.memory_space<hbm>> -> memref<1x6272xf32, #tpu.memory_space<hbm>>
        %dma_start3A_444 = tpu.memref_squeeze %dma_start3A_443 : memref<1x6272xf32, #tpu.memory_space<hbm>> -> memref<6272xf32, #tpu.memory_space<hbm>>
        %dma_start3A_445 = tpu.memref_slice %arg2[%select_n3A_410, %mul3A_414] : memref<384x25088xf32, #tpu.memory_space<hbm>> -> memref<1x6272xf32, #tpu.memory_space<hbm>>
        %dma_start3A_446 = tpu.memref_squeeze %dma_start3A_445 : memref<1x6272xf32, #tpu.memory_space<hbm>> -> memref<6272xf32, #tpu.memory_space<hbm>>
        tpu.enqueue_dma source(%dma_start3A_446 : memref<6272xf32, #tpu.memory_space<hbm>>) target(%arg6 : memref<6272xf32, #tpu.memory_space<vmem>>) target_semaphore(%arg13 : memref<!tpu.dma_semaphore, #tpu.memory_space<semaphore_mem>>)
        %dma_start3A_447 = tpu.memref_slice %arg3[%select_n3A_438, %mul3A_442] : memref<384x25088xi32, #tpu.memory_space<hbm>> -> memref<1x6272xi32, #tpu.memory_space<hbm>>
        %dma_start3A_448 = tpu.memref_squeeze %dma_start3A_447 : memref<1x6272xi32, #tpu.memory_space<hbm>> -> memref<6272xi32, #tpu.memory_space<hbm>>
        %dma_start3A_449 = tpu.memref_slice %arg3[%select_n3A_438, %mul3A_442] : memref<384x25088xi32, #tpu.memory_space<hbm>> -> memref<1x6272xi32, #tpu.memory_space<hbm>>
        %dma_start3A_450 = tpu.memref_squeeze %dma_start3A_449 : memref<1x6272xi32, #tpu.memory_space<hbm>> -> memref<6272xi32, #tpu.memory_space<hbm>>
        tpu.enqueue_dma source(%dma_start3A_450 : memref<6272xi32, #tpu.memory_space<hbm>>) target(%arg8 : memref<6272xi32, #tpu.memory_space<vmem>>) target_semaphore(%arg13 : memref<!tpu.dma_semaphore, #tpu.memory_space<semaphore_mem>>)
      } else {
      }
      %ge3A_274 = arith.constant 2 : i32
      %ge3A_275 = arith.cmpi sge, %add3A_265, %ge3A_274 : i32
      %convert_element_type3A_276 = arith.extui %ge3A_275 : i1 to i32
      %cond3A_277 = arith.constant 0 : i32
      %cond3A_278 = arith.cmpi ne, %convert_element_type3A_276, %cond3A_277 : i32
      scf.if %cond3A_278 {
        %sub3A_385 = arith.constant 2 : i32
        %sub3A_386 = arith.subi %add3A_266, %sub3A_385 : i32
        %jit3A_387 = arith.constant 4 : i32
        %div3A_388 = arith.divsi %sub3A_386, %jit3A_387 : i32
        %sign3A_389 = arith.constant 0 : i32
        %sign3A_390 = arith.cmpi sgt, %sub3A_386, %sign3A_389 : i32
        %sign3A_391 = arith.extui %sign3A_390 : i1 to i32
        %sign3A_392 = arith.constant 0 : i32
        %sign3A_393 = arith.cmpi slt, %sub3A_386, %sign3A_392 : i32
        %sign3A_394 = arith.extui %sign3A_393 : i1 to i32
        %sign3A_395 = arith.subi %sign3A_391, %sign3A_394 : i32
        %sign3A_396 = arith.constant 0 : i32
        %sign3A_397 = arith.cmpi sgt, %jit3A_387, %sign3A_396 : i32
        %sign3A_398 = arith.extui %sign3A_397 : i1 to i32
        %sign3A_399 = arith.constant 0 : i32
        %sign3A_400 = arith.cmpi slt, %jit3A_387, %sign3A_399 : i32
        %sign3A_401 = arith.extui %sign3A_400 : i1 to i32
        %sign3A_402 = arith.subi %sign3A_398, %sign3A_401 : i32
        %ne3A_403 = arith.cmpi ne, %sign3A_395, %sign3A_402 : i32
        %rem3A_404 = arith.remsi %sub3A_386, %jit3A_387 : i32
        %ne3A_405 = arith.constant 0 : i32
        %ne3A_406 = arith.cmpi ne, %rem3A_404, %ne3A_405 : i32
        %and3A_407 = arith.andi %ne3A_403, %ne3A_406 : i1
        %sub3A_408 = arith.constant 1 : i32
        %sub3A_409 = arith.subi %div3A_388, %sub3A_408 : i32
        %select_n3A_410 = arith.select %and3A_407, %sub3A_409, %div3A_388 : i32
        %and3A_411 = arith.constant 3 : i32
        %and3A_412 = arith.andi %sub3A_386, %and3A_411 : i32
        %mul3A_413 = arith.constant 25088 : i32
        %mul3A_414 = arith.muli %and3A_412, %mul3A_413 : i32
        %dma_wait3A_415 = tpu.memref_slice %arg5[%select_n3A_410, %mul3A_414] : memref<384x100352xf32, #tpu.memory_space<hbm>> -> memref<1x25088xf32, #tpu.memory_space<hbm>>
        %dma_wait3A_416 = tpu.memref_squeeze %dma_wait3A_415 : memref<1x25088xf32, #tpu.memory_space<hbm>> -> memref<25088xf32, #tpu.memory_space<hbm>>
        %dma_wait3A_417 = tpu.memref_slice %arg5[%select_n3A_410, %mul3A_414] : memref<384x100352xf32, #tpu.memory_space<hbm>> -> memref<1x25088xf32, #tpu.memory_space<hbm>>
        %dma_wait3A_418 = tpu.memref_squeeze %dma_wait3A_417 : memref<1x25088xf32, #tpu.memory_space<hbm>> -> memref<25088xf32, #tpu.memory_space<hbm>>
        tpu.wait_dma2 semaphore(%arg16 : memref<!tpu.dma_semaphore, #tpu.memory_space<semaphore_mem>>) src(%arg11 : memref<25088xf32, #tpu.memory_space<vmem>>) dst(%dma_wait3A_418 : memref<25088xf32, #tpu.memory_space<hbm>>)
      } else {
      }
      %parallel_loop3A_279 = arith.constant 0 : i32
      %parallel_loop3A_280 = arith.constant 25088 : i32
      %parallel_loop3A_281 = arith.constant 16 : i32
      scf.for %parallel_loop3A_385 = %parallel_loop3A_279 to %parallel_loop3A_280 step %parallel_loop3A_281  : i32 {
        %parallel_loop3A_386 = arith.index_cast %parallel_loop3A_385 : i32 to index
        %parallel_loop3A_387 = tpu.vector_load %arg11[%parallel_loop3A_386] {strides = array<i32>} : memref<25088xf32, #tpu.memory_space<vmem>>, vector<16xf32>,
        tpu.vector_store %arg11[%parallel_loop3A_386], %broadcast_in_dim3A_4 {strides = array<i32>} : memref<25088xf32, #tpu.memory_space<vmem>>, vector<16xf32>,
      } {sc.loop_unroll_factor = 8 : i64, sc.parallel_access}
      %jit3A_282 = arith.constant 4 : i32
      %div3A_283 = arith.divsi %add3A_266, %jit3A_282 : i32
      %sign3A_284 = arith.constant 0 : i32
      %sign3A_285 = arith.cmpi sgt, %add3A_266, %sign3A_284 : i32
      %sign3A_286 = arith.extui %sign3A_285 : i1 to i32
      %sign3A_287 = arith.constant 0 : i32
      %sign3A_288 = arith.cmpi slt, %add3A_266, %sign3A_287 : i32
      %sign3A_289 = arith.extui %sign3A_288 : i1 to i32
      %sign3A_290 = arith.subi %sign3A_286, %sign3A_289 : i32
      %sign3A_291 = arith.constant 0 : i32
      %sign3A_292 = arith.cmpi sgt, %jit3A_282, %sign3A_291 : i32
      %sign3A_293 = arith.extui %sign3A_292 : i1 to i32
      %sign3A_294 = arith.constant 0 : i32
      %sign3A_295 = arith.cmpi slt, %jit3A_282, %sign3A_294 : i32
      %sign3A_296 = arith.extui %sign3A_295 : i1 to i32
      %sign3A_297 = arith.subi %sign3A_293, %sign3A_296 : i32
      %ne3A_298 = arith.cmpi ne, %sign3A_290, %sign3A_297 : i32
      %rem3A_299 = arith.remsi %add3A_266, %jit3A_282 : i32
      %ne3A_300 = arith.constant 0 : i32
      %ne3A_301 = arith.cmpi ne, %rem3A_299, %ne3A_300 : i32
      %and3A_302 = arith.andi %ne3A_298, %ne3A_301 : i1
      %sub3A_303 = arith.constant 1 : i32
      %sub3A_304 = arith.subi %div3A_283, %sub3A_303 : i32
      %select_n3A_305 = arith.select %and3A_302, %sub3A_304, %div3A_283 : i32
      %and3A_306 = arith.constant 3 : i32
      %and3A_307 = arith.andi %add3A_266, %and3A_306 : i32
      %mul3A_308 = arith.constant 6272 : i32
      %mul3A_309 = arith.muli %and3A_307, %mul3A_308 : i32
      %jit3A_310 = arith.constant 4 : i32
      %div3A_311 = arith.divsi %add3A_266, %jit3A_310 : i32
      %sign3A_312 = arith.constant 0 : i32
      %sign3A_313 = arith.cmpi sgt, %add3A_266, %sign3A_312 : i32
      %sign3A_314 = arith.extui %sign3A_313 : i1 to i32
      %sign3A_315 = arith.constant 0 : i32
      %sign3A_316 = arith.cmpi slt, %add3A_266, %sign3A_315 : i32
      %sign3A_317 = arith.extui %sign3A_316 : i1 to i32
      %sign3A_318 = arith.subi %sign3A_314, %sign3A_317 : i32
      %sign3A_319 = arith.constant 0 : i32
      %sign3A_320 = arith.cmpi sgt, %jit3A_310, %sign3A_319 : i32
      %sign3A_321 = arith.extui %sign3A_320 : i1 to i32
      %sign3A_322 = arith.constant 0 : i32
      %sign3A_323 = arith.cmpi slt, %jit3A_310, %sign3A_322 : i32
      %sign3A_324 = arith.extui %sign3A_323 : i1 to i32
      %sign3A_325 = arith.subi %sign3A_321, %sign3A_324 : i32
      %ne3A_326 = arith.cmpi ne, %sign3A_318, %sign3A_325 : i32
      %rem3A_327 = arith.remsi %add3A_266, %jit3A_310 : i32
      %ne3A_328 = arith.constant 0 : i32
      %ne3A_329 = arith.cmpi ne, %rem3A_327, %ne3A_328 : i32
      %and3A_330 = arith.andi %ne3A_326, %ne3A_329 : i1
      %sub3A_331 = arith.constant 1 : i32
      %sub3A_332 = arith.subi %div3A_311, %sub3A_331 : i32
      %select_n3A_333 = arith.select %and3A_330, %sub3A_332, %div3A_311 : i32
      %and3A_334 = arith.constant 3 : i32
      %and3A_335 = arith.andi %add3A_266, %and3A_334 : i32
      %mul3A_336 = arith.constant 6272 : i32
      %mul3A_337 = arith.muli %and3A_335, %mul3A_336 : i32
      %dma_wait3A_338 = tpu.memref_slice %arg2[%select_n3A_305, %mul3A_309] : memref<384x25088xf32, #tpu.memory_space<hbm>> -> memref<1x6272xf32, #tpu.memory_space<hbm>>
      %dma_wait3A_339 = tpu.memref_squeeze %dma_wait3A_338 : memref<1x6272xf32, #tpu.memory_space<hbm>> -> memref<6272xf32, #tpu.memory_space<hbm>>
      %dma_wait3A_340 = tpu.memref_slice %arg2[%select_n3A_305, %mul3A_309] : memref<384x25088xf32, #tpu.memory_space<hbm>> -> memref<1x6272xf32, #tpu.memory_space<hbm>>
      %dma_wait3A_341 = tpu.memref_squeeze %dma_wait3A_340 : memref<1x6272xf32, #tpu.memory_space<hbm>> -> memref<6272xf32, #tpu.memory_space<hbm>>
      tpu.wait_dma2 semaphore(%arg14 : memref<!tpu.dma_semaphore, #tpu.memory_space<semaphore_mem>>) src(%dma_wait3A_341 : memref<6272xf32, #tpu.memory_space<hbm>>) dst(%arg7 : memref<6272xf32, #tpu.memory_space<vmem>>)
      %dma_wait3A_342 = tpu.memref_slice %arg3[%select_n3A_333, %mul3A_337] : memref<384x25088xi32, #tpu.memory_space<hbm>> -> memref<1x6272xi32, #tpu.memory_space<hbm>>
      %dma_wait3A_343 = tpu.memref_squeeze %dma_wait3A_342 : memref<1x6272xi32, #tpu.memory_space<hbm>> -> memref<6272xi32, #tpu.memory_space<hbm>>
      %dma_wait3A_344 = tpu.memref_slice %arg3[%select_n3A_333, %mul3A_337] : memref<384x25088xi32, #tpu.memory_space<hbm>> -> memref<1x6272xi32, #tpu.memory_space<hbm>>
      %dma_wait3A_345 = tpu.memref_squeeze %dma_wait3A_344 : memref<1x6272xi32, #tpu.memory_space<hbm>> -> memref<6272xi32, #tpu.memory_space<hbm>>
      tpu.wait_dma2 semaphore(%arg14 : memref<!tpu.dma_semaphore, #tpu.memory_space<semaphore_mem>>) src(%dma_wait3A_345 : memref<6272xi32, #tpu.memory_space<hbm>>) dst(%arg9 : memref<6272xi32, #tpu.memory_space<vmem>>)
      %and3A_346 = arith.constant 3 : i32
      %and3A_347 = arith.andi %add3A_266, %and3A_346 : i32
      %mul3A_348 = arith.constant 25088 : i32
      %mul3A_349 = arith.muli %and3A_347, %mul3A_348 : i32
      %parallel_loop3A_350 = arith.constant 0 : i32
      %parallel_loop3A_351 = arith.constant 6272 : i32
      %parallel_loop3A_352 = arith.constant 16 : i32
      scf.for %parallel_loop3A_385 = %parallel_loop3A_350 to %parallel_loop3A_351 step %parallel_loop3A_352  : i32 {
        %parallel_loop3A_386 = arith.index_cast %parallel_loop3A_385 : i32 to index
        %parallel_loop3A_387 = tpu.vector_load %arg7[%parallel_loop3A_386] {strides = array<i32>} : memref<6272xf32, #tpu.memory_space<vmem>>, vector<16xf32>,
        %parallel_loop3A_388 = arith.index_cast %parallel_loop3A_385 : i32 to index
        %parallel_loop3A_389 = tpu.vector_load %arg9[%parallel_loop3A_388] {strides = array<i32>} : memref<6272xi32, #tpu.memory_space<vmem>>, vector<16xi32>,
        %parallel_loop3A_390 = arith.addi %parallel_loop3A_389, %get3A_1 : vector<16xi32>
        %parallel_loop3A_391 = arith.constant 2 : i32
        %parallel_loop3A_392 = vector.broadcast %parallel_loop3A_391 : i32 to vector<16xi32>
        %parallel_loop3A_393 = arith.muli %parallel_loop3A_390, %parallel_loop3A_392 : vector<16xi32>
        %parallel_loop3A_394 = arith.addi %parallel_loop3A_393, %and3A_3 : vector<16xi32>
        %parallel_loop3A_395 = vector.broadcast %mul3A_349 : i32 to vector<16xi32>
        %parallel_loop3A_396 = arith.subi %parallel_loop3A_394, %parallel_loop3A_395 : vector<16xi32>
        tpu.vector_store_idx %arg11[%parallel_loop3A_396], %parallel_loop3A_387 : memref<25088xf32, #tpu.memory_space<vmem>>[vector<16xi32>], vector<16xf32>,
      } {sc.loop_unroll_factor = 8 : i64, sc.parallel_access}
      %jit3A_353 = arith.constant 4 : i32
      %div3A_354 = arith.divsi %add3A_266, %jit3A_353 : i32
      %sign3A_355 = arith.constant 0 : i32
      %sign3A_356 = arith.cmpi sgt, %add3A_266, %sign3A_355 : i32
      %sign3A_357 = arith.extui %sign3A_356 : i1 to i32
      %sign3A_358 = arith.constant 0 : i32
      %sign3A_359 = arith.cmpi slt, %add3A_266, %sign3A_358 : i32
      %sign3A_360 = arith.extui %sign3A_359 : i1 to i32
      %sign3A_361 = arith.subi %sign3A_357, %sign3A_360 : i32
      %sign3A_362 = arith.constant 0 : i32
      %sign3A_363 = arith.cmpi sgt, %jit3A_353, %sign3A_362 : i32
      %sign3A_364 = arith.extui %sign3A_363 : i1 to i32
      %sign3A_365 = arith.constant 0 : i32
      %sign3A_366 = arith.cmpi slt, %jit3A_353, %sign3A_365 : i32
      %sign3A_367 = arith.extui %sign3A_366 : i1 to i32
      %sign3A_368 = arith.subi %sign3A_364, %sign3A_367 : i32
      %ne3A_369 = arith.cmpi ne, %sign3A_361, %sign3A_368 : i32
      %rem3A_370 = arith.remsi %add3A_266, %jit3A_353 : i32
      %ne3A_371 = arith.constant 0 : i32
      %ne3A_372 = arith.cmpi ne, %rem3A_370, %ne3A_371 : i32
      %and3A_373 = arith.andi %ne3A_369, %ne3A_372 : i1
      %sub3A_374 = arith.constant 1 : i32
      %sub3A_375 = arith.subi %div3A_354, %sub3A_374 : i32
      %select_n3A_376 = arith.select %and3A_373, %sub3A_375, %div3A_354 : i32
      %and3A_377 = arith.constant 3 : i32
      %and3A_378 = arith.andi %add3A_266, %and3A_377 : i32
      %mul3A_379 = arith.constant 25088 : i32
      %mul3A_380 = arith.muli %and3A_378, %mul3A_379 : i32
      %dma_start3A_381 = tpu.memref_slice %arg5[%select_n3A_376, %mul3A_380] : memref<384x100352xf32, #tpu.memory_space<hbm>> -> memref<1x25088xf32, #tpu.memory_space<hbm>>
      %dma_start3A_382 = tpu.memref_squeeze %dma_start3A_381 : memref<1x25088xf32, #tpu.memory_space<hbm>> -> memref<25088xf32, #tpu.memory_space<hbm>>
      %dma_start3A_383 = tpu.memref_slice %arg5[%select_n3A_376, %mul3A_380] : memref<384x100352xf32, #tpu.memory_space<hbm>> -> memref<1x25088xf32, #tpu.memory_space<hbm>>
      %dma_start3A_384 = tpu.memref_squeeze %dma_start3A_383 : memref<1x25088xf32, #tpu.memory_space<hbm>> -> memref<25088xf32, #tpu.memory_space<hbm>>
      tpu.enqueue_dma source(%arg11 : memref<25088xf32, #tpu.memory_space<vmem>>) target(%dma_start3A_384 : memref<25088xf32, #tpu.memory_space<hbm>>) target_semaphore(%arg16 : memref<!tpu.dma_semaphore, #tpu.memory_space<semaphore_mem>>)
    }
    %scan3A_67 = arith.constant 24 : i32
    %add3A_68 = arith.constant 48 : i32
    %add3A_69 = arith.addi %mul3A_6, %add3A_68 : i32
    %sub3A_70 = arith.constant 2 : i32
    %sub3A_71 = arith.subi %add3A_69, %sub3A_70 : i32
    %add3A_72 = arith.constant 0 : i32
    %add3A_73 = arith.addi %sub3A_71, %add3A_72 : i32
    %jit3A_74 = arith.constant 4 : i32
    %div3A_75 = arith.divsi %add3A_73, %jit3A_74 : i32
    %sign3A_76 = arith.constant 0 : i32
    %sign3A_77 = arith.cmpi sgt, %add3A_73, %sign3A_76 : i32
    %sign3A_78 = arith.extui %sign3A_77 : i1 to i32
    %sign3A_79 = arith.constant 0 : i32
    %sign3A_80 = arith.cmpi slt, %add3A_73, %sign3A_79 : i32
    %sign3A_81 = arith.extui %sign3A_80 : i1 to i32
    %sign3A_82 = arith.subi %sign3A_78, %sign3A_81 : i32
    %sign3A_83 = arith.constant 0 : i32
    %sign3A_84 = arith.cmpi sgt, %jit3A_74, %sign3A_83 : i32
    %sign3A_85 = arith.extui %sign3A_84 : i1 to i32
    %sign3A_86 = arith.constant 0 : i32
    %sign3A_87 = arith.cmpi slt, %jit3A_74, %sign3A_86 : i32
    %sign3A_88 = arith.extui %sign3A_87 : i1 to i32
    %sign3A_89 = arith.subi %sign3A_85, %sign3A_88 : i32
    %ne3A_90 = arith.cmpi ne, %sign3A_82, %sign3A_89 : i32
    %rem3A_91 = arith.remsi %add3A_73, %jit3A_74 : i32
    %ne3A_92 = arith.constant 0 : i32
    %ne3A_93 = arith.cmpi ne, %rem3A_91, %ne3A_92 : i32
    %and3A_94 = arith.andi %ne3A_90, %ne3A_93 : i1
    %sub3A_95 = arith.constant 1 : i32
    %sub3A_96 = arith.subi %div3A_75, %sub3A_95 : i32
    %select_n3A_97 = arith.select %and3A_94, %sub3A_96, %div3A_75 : i32
    %and3A_98 = arith.constant 3 : i32
    %and3A_99 = arith.andi %add3A_73, %and3A_98 : i32
    %mul3A_100 = arith.constant 25088 : i32
    %mul3A_101 = arith.muli %and3A_99, %mul3A_100 : i32
    %dma_wait3A = tpu.memref_slice %arg5[%select_n3A_97, %mul3A_101] : memref<384x100352xf32, #tpu.memory_space<hbm>> -> memref<1x25088xf32, #tpu.memory_space<hbm>>
    %dma_wait3A_102 = tpu.memref_squeeze %dma_wait3A : memref<1x25088xf32, #tpu.memory_space<hbm>> -> memref<25088xf32, #tpu.memory_space<hbm>>
    %dma_wait3A_103 = tpu.memref_slice %arg5[%select_n3A_97, %mul3A_101] : memref<384x100352xf32, #tpu.memory_space<hbm>> -> memref<1x25088xf32, #tpu.memory_space<hbm>>
    %dma_wait3A_104 = tpu.memref_squeeze %dma_wait3A_103 : memref<1x25088xf32, #tpu.memory_space<hbm>> -> memref<25088xf32, #tpu.memory_space<hbm>>
    tpu.wait_dma2 semaphore(%arg15 : memref<!tpu.dma_semaphore, #tpu.memory_space<semaphore_mem>>) src(%arg10 : memref<25088xf32, #tpu.memory_space<vmem>>) dst(%dma_wait3A_104 : memref<25088xf32, #tpu.memory_space<hbm>>)
    %add3A_105 = arith.constant 48 : i32
    %add3A_106 = arith.addi %mul3A_6, %add3A_105 : i32
    %sub3A_107 = arith.constant 2 : i32
    %sub3A_108 = arith.subi %add3A_106, %sub3A_107 : i32
    %add3A_109 = arith.constant 1 : i32
    %add3A_110 = arith.addi %sub3A_108, %add3A_109 : i32
    %jit3A_111 = arith.constant 4 : i32
    %div3A_112 = arith.divsi %add3A_110, %jit3A_111 : i32
    %sign3A_113 = arith.constant 0 : i32
    %sign3A_114 = arith.cmpi sgt, %add3A_110, %sign3A_113 : i32
    %sign3A_115 = arith.extui %sign3A_114 : i1 to i32
    %sign3A_116 = arith.constant 0 : i32
    %sign3A_117 = arith.cmpi slt, %add3A_110, %sign3A_116 : i32
    %sign3A_118 = arith.extui %sign3A_117 : i1 to i32
    %sign3A_119 = arith.subi %sign3A_115, %sign3A_118 : i32
    %sign3A_120 = arith.constant 0 : i32
    %sign3A_121 = arith.cmpi sgt, %jit3A_111, %sign3A_120 : i32
    %sign3A_122 = arith.extui %sign3A_121 : i1 to i32
    %sign3A_123 = arith.constant 0 : i32
    %sign3A_124 = arith.cmpi slt, %jit3A_111, %sign3A_123 : i32
    %sign3A_125 = arith.extui %sign3A_124 : i1 to i32
    %sign3A_126 = arith.subi %sign3A_122, %sign3A_125 : i32
    %ne3A_127 = arith.cmpi ne, %sign3A_119, %sign3A_126 : i32
    %rem3A_128 = arith.remsi %add3A_110, %jit3A_111 : i32
    %ne3A_129 = arith.constant 0 : i32
    %ne3A_130 = arith.cmpi ne, %rem3A_128, %ne3A_129 : i32
    %and3A_131 = arith.andi %ne3A_127, %ne3A_130 : i1
    %sub3A_132 = arith.constant 1 : i32
    %sub3A_133 = arith.subi %div3A_112, %sub3A_132 : i32
    %select_n3A_134 = arith.select %and3A_131, %sub3A_133, %div3A_112 : i32
    %and3A_135 = arith.constant 3 : i32
    %and3A_136 = arith.andi %add3A_110, %and3A_135 : i32
    %mul3A_137 = arith.constant 25088 : i32
    %mul3A_138 = arith.muli %and3A_136, %mul3A_137 : i32
    %dma_wait3A_139 = tpu.memref_slice %arg5[%select_n3A_134, %mul3A_138] : memref<384x100352xf32, #tpu.memory_space<hbm>> -> memref<1x25088xf32, #tpu.memory_space<hbm>>
    %dma_wait3A_140 = tpu.memref_squeeze %dma_wait3A_139 : memref<1x25088xf32, #tpu.memory_space<hbm>> -> memref<25088xf32, #tpu.memory_space<hbm>>
    %dma_wait3A_141 = tpu.memref_slice %arg5[%select_n3A_134, %mul3A_138] : memref<384x100352xf32, #tpu.memory_space<hbm>> -> memref<1x25088xf32, #tpu.memory_space<hbm>>
    %dma_wait3A_142 = tpu.memref_squeeze %dma_wait3A_141 : memref<1x25088xf32, #tpu.memory_space<hbm>> -> memref<25088xf32, #tpu.memory_space<hbm>>
    tpu.wait_dma2 semaphore(%arg16 : memref<!tpu.dma_semaphore, #tpu.memory_space<semaphore_mem>>) src(%arg11 : memref<25088xf32, #tpu.memory_space<vmem>>) dst(%dma_wait3A_142 : memref<25088xf32, #tpu.memory_space<hbm>>)
    return
  }
}

</mosaic_0001>

<sc_bundles>
// kernel: kernel.3.cloned.1.call-start
scs
__scs_entry_jumppad:
0x0: {  	(pc) =	sbr.rel $0x88, $3  }
0x1: {  	(tag) =	ssettag $0x0;
	lr =	simm.s32 $0x1  }
0x2: {  	[smem:$0x3F9E] =	sst lr;
	_ =	strace $0xD0000000  }
0x3: {  	_ = 	snop  }
0x4: {  	_ = 	snop  }
0x5: {  	_ = 	snop  }
0x6: {  	_ = 	snop  }
0x7: {  	_ = 	snop  }
__scs_overlays_trampoline_lowered:
0x8: {  	[smem:$0x3FAD] =	sst s0  }
0x9: {  	[smem:$0x3FAE] =	sst s1  }
0xa: {  	[smem:$0x3FAF] =	sst s2  }
0xb: {  	[smem:$0x3FB0] =	sst s3  }
0xc: {  	[smem:$0x3FB1] =	sst s4  }
0xd: {  	[smem:$0x3FB2] =	sst s5  }
0xe: {  	[smem:$0x3FB3] =	sst s6  }
0xf: {  	[smem:$0x3FB4] =	sst s7  }
0x10: {  	[smem:$0x3FB5] =	sst s8  }
0x11: {  	[smem:$0x3FB6] =	sst s9;
	s0 =	simm.s32 @!p0 $0x0  }
0x12: {  	s1 =	sld [smem:$0x3F9C];
	s0 =	simm.s32 @p0 $0x1  }
0x13: {  	[smem:$0x3FB7] =	sst s0;
	s0 =	simm.s32 @!p1 $0x0  }
0x14: {  	s2 =	sld [smem:$0x3F9B];
	s0 =	simm.s32 @p1 $0x1  }
0x15: {  	[smem:$0x3FB8] =	sst s0;
	s0 =	simm.s32 @!p2 $0x0  }
0x16: {  	s3 =	sld [smem:$0x3FDB];
	s0 =	simm.s32 @p2 $0x1  }
0x17: {  	s4 =	simm.s32 $0x1BF5;
	[smem:$0x3FBA] =	sst s0  }
0x18: {  	s0 =	sld [smem:$0x3F9D];
	_ =	swait.ge [sflag:s4], $0x0  }
0x19: {  	s7 =	sld [smem:$0x3F9E]  }
0x1a: {  	s8 =	sadd.s32 $0xFFFFE003, lr  }
0x1b: {  	s9 =	sadd.s32 $0xFFFFFEF7, lr;
	s5 =	simm.s32 $0xFFFFFFFF;
	p2 =	slt.u32 s8, $0xFFFFF086  }
0x1c: {  	p1 =	slt.u32 s9, $0xF7A;
	s5 =	simm.s32 @!p2 $0x0  }
0x1d: {  	s5 =	simm.s32 @p1 $0x1;
	p0 =	seq.s32 s7, s2  }
0x1e: {  	s7 =	smul.u32 @!p0 $0xF7A, s2;
	p2 =	seq.s32 @!p0 s5, $0x0  }
0x1f: {  	s9 =	smul.u32 $0xF7A, s1;
	s8 =	simm.s32 @!p0 $0x1BF5;
	p2 =	por !p2, p0  }
0x20: {  	[sflag:s8] =	ssyncset.s32 @!p0 $0xFFFFF086;
	s6 =	sadd.s32 @!p0 s3, s7;
	s7 =	simm.s32 @!p0 $0x108  }
0x21: {  	s3 =	sadd.s32 s3, s9;
	s6 =	sadd.s32 @!p0 $0x88, s6;
	s7 =	simm.s32 @p2 $0x1082  }
0x22: {  	[simem:s7], [sflag:s8] =	dma.local @!p0 [hbm:s6], $0xF7A  }
0x23: {  	s9 =	sor.u32 $0xD0000000, s2;
	s6 =	simm.s32 $0x108;
	_ =	swait.ge @!p0 [sflag:s8], $0x0  }
0x24: {  	s3 =	sadd.s32 $0x88, s3;
	s6 =	simm.s32 @!p1 $0x1082;
	[sflag:s4] =	ssyncset.s32 $0xFFFFF086  }
0x25: {  	[simem:s6], [sflag:s4] =	dma.local [hbm:s3], $0xF7A  }
0x26: {  	[smem:$0x3F9E] =	sst s1;
	(tag) =	ssettag s2;
	_ =	strace s9  }
0x27: {  	s1 =	sld [smem:$0x3FAE]  }
0x28: {  	s2 =	sld [smem:$0x3FAF]  }
0x29: {  	s4 =	sld [smem:$0x3FB1]  }
0x2a: {  	p0 =	seq.s32 s5, $0x0;
	s5 =	sld [smem:$0x3FB2]  }
0x2b: {  	s6 =	sld [smem:$0x3FB3]  }
0x2c: {  	s7 =	sld [smem:$0x3FB4]  }
0x2d: {  	s3 =	simm.s32 $0x108;
	s8 =	sld [smem:$0x3FB5]  }
0x2e: {  	s3 =	simm.s32 @!p0 $0x1082;
	s9 =	sld [smem:$0x3FB6]  }
0x2f: {  	lr =	sadd.s32 s0, s3;
	s0 =	sld [smem:$0x3FAD]  }
0x30: {  	s3 =	sld [smem:$0x3FB0]  }
0x31: {  	[smem:$0x3FB9] =	sst s10  }
0x32: {  	s10 =	sld [smem:$0x3FB7];
	_ =	sdelay $0x3  }
0x33: {  	p0 =	seq.s32 s10, $0x1;
	s10 =	sld [smem:$0x3FB9];
	_ =	sdelay $0x3  }
0x34: {  	[smem:$0x3FB9] =	sst s10  }
0x35: {  	s10 =	sld [smem:$0x3FB8];
	_ =	sdelay $0x3  }
0x36: {  	p1 =	seq.s32 s10, $0x1;
	s10 =	sld [smem:$0x3FB9];
	_ =	sdelay $0x3  }
0x37: {  	[smem:$0x3FB9] =	sst s10  }
0x38: {  	s10 =	sld [smem:$0x3FBA]  }
0x39: {  	_ = 	snop;
	(pc) =	sbr.ind lr, $3  }
0x3a: {  	_ = 	snop  }
0x3b: {  	_ = 	snop  }
0x3c: {  	p2 =	seq.s32 s10, $0x1;
	s10 =	sld [smem:$0x3FB9]  }
0x3d: {  	_ =	shalt  }
0x3e: {  	_ =	shalt  }
0x3f: {  	_ =	shalt  }
0x40: {  	_ =	shalt  }
0x41: {  	_ =	shalt  }
0x42: {  	_ =	shalt  }
0x43: {  	_ =	shalt  }
0x44: {  	_ =	shalt  }
0x45: {  	_ =	shalt  }
0x46: {  	_ =	shalt  }
0x47: {  	_ =	shalt  }
0x48: {  	_ =	shalt  }
0x49: {  	_ =	shalt  }
0x4a: {  	_ =	shalt  }
0x4b: {  	_ =	shalt  }
0x4c: {  	_ =	shalt  }
0x4d: {  	_ =	shalt  }
0x4e: {  	_ =	shalt  }
0x4f: {  	_ =	shalt  }
0x50: {  	_ =	shalt  }
0x51: {  	_ =	shalt  }
0x52: {  	_ =	shalt  }
0x53: {  	_ =	shalt  }
0x54: {  	_ =	shalt  }
0x55: {  	_ =	shalt  }
0x56: {  	_ =	shalt  }
0x57: {  	_ =	shalt  }
0x58: {  	_ =	shalt  }
0x59: {  	_ =	shalt  }
0x5a: {  	_ =	shalt  }
0x5b: {  	_ =	shalt  }
0x5c: {  	_ =	shalt  }
0x5d: {  	_ =	shalt  }
0x5e: {  	_ =	shalt  }
0x5f: {  	_ =	shalt  }
0x60: {  	_ =	shalt  }
0x61: {  	_ =	shalt  }
0x62: {  	_ =	shalt  }
0x63: {  	_ =	shalt  }
0x64: {  	_ =	shalt  }
0x65: {  	_ =	shalt  }
0x66: {  	_ =	shalt  }
0x67: {  	_ =	shalt  }
0x68: {  	_ =	shalt  }
0x69: {  	_ =	shalt  }
0x6a: {  	_ =	shalt  }
0x6b: {  	_ =	shalt  }
0x6c: {  	_ =	shalt  }
0x6d: {  	_ =	shalt  }
0x6e: {  	_ =	shalt  }
0x6f: {  	_ =	shalt  }
0x70: {  	_ =	shalt  }
0x71: {  	_ =	shalt  }
0x72: {  	_ =	shalt  }
0x73: {  	_ =	shalt  }
0x74: {  	_ =	shalt  }
0x75: {  	_ =	shalt  }
0x76: {  	_ =	shalt  }
0x77: {  	_ =	shalt  }
0x78: {  	_ =	shalt  }
0x79: {  	_ =	shalt  }
0x7a: {  	_ =	shalt  }
0x7b: {  	_ =	shalt  }
0x7c: {  	_ =	shalt  }
0x7d: {  	_ =	shalt  }
0x7e: {  	_ =	shalt  }
0x7f: {  	_ =	shalt  }
0x80: {  	_ =	shalt  }
0x81: {  	_ =	shalt  }
0x82: {  	_ =	shalt  }
0x83: {  	_ =	shalt  }
0x84: {  	_ =	shalt  }
0x85: {  	_ =	shalt  }
0x86: {  	_ =	shalt  }
0x87: {  	_ =	shalt  }
.Lfunc_end0:
.L_simem_size_0:
called_computation.1_lowered:
.L_overlay_start_0:
0x88: {  	s2 =	sld [smem:$0x3FD9]  }
0x89: {  	s3 =	sld [smem:$0x3FFE];
	_ =	sdelay $0x1  }
0x8a: {  	s1 =	srdreg.scid  }
0x8b: {  	s0 =	sand.u32 $0x1, s1  }
0x8c: {  	s17 =	sshll.u32 s0, $0xA;
	s2 =	sadd.s32 s3, s2  }
0x8d: {  	s2 =	sadd.s32 s2, s17  }
0x8e: {  	[smem:$0x3FC5] =	sst s2  }
0x8f: {  	_ = 	snop  }
0x90: {  	s2 =	sld [smem:$0x3FD0];
	(tm) =	ssettm $0x1  }
0x91: {  	s18 =	sld [smem:$0x3FFB];
	_ =	sdelay $0x3  }
0x92: {  	_ =	strace s18  }
0x93: {  	s3 =	sld [smem:$0x3FFC];
	_ =	sdelay $0x3  }
0x94: {  	_ =	strace s3  }
0x95: {  	s3 =	sld [smem:$0x3FFD];
	_ =	sdelay $0x3  }
0x96: {  	_ =	strace s3  }
0x97: {  	_ =	strace $0x8FFFFFFF  }
0x98: {  	s19 =	sld [smem:$0x3FDB];
	_ =	sdelay $0x1  }
0x99: {  	s4 =	simm.s32 $_scs_section_size  }
0x9a: {  	s5 =	simm.s32 $_size__tile_overlayer_lowered;
	s6 =	simm.s32 $_tile_overlayer_lowered  }
0x9b: {  	s22 =	simm.s32 $0x1BFF;
	s21 =	sshll.u32 s6, $0x1;
	s3 =	sadd.s32 s4, s19  }
0x9c: {  	s7 =	simm.s32 $0x0;
	s20 =	sshll.u32 s5, $0x1;
	s5 =	sadd.s32 s21, s3  }
0x9d: {  	[timem:s7], [sflag:s22] =	dma.local [hbm:s5], s20  }
0x9e: {  	_ =	swait.ge [sflag:s22], s20  }
0x9f: {  	s4 =	ssub.s32 $0x0, s20;
	[sflag:s22] =	ssyncset.done $0x0  }
0xa0: {  	[sflag:s22] =	ssyncadd.s32 s4;
	_ =	sdelay $0x1  }
0xa1: {  	s23 =	simm.s32 $0x1B8B  }
0xa2: {  	_ =	swait.ge [sflag:s23], $0x1  }
0xa3: {  	[sflag:s23] =	ssyncset.done $0x0  }
0xa4: {  	s25 =	simm.s32 $0x1B8E;
	s24 =	sld [smem:$0x3FFE];
	[sflag:s23] =	ssyncadd.s32 $0xFFFFFFFF  }
0xa5: {  	s26 =	simm.s32 $execute0_lowered;
	[smem:$0x3FD2] =	sst s25  }
0xa6: {  	s5 =	sshll.u32 s26, $0x1;
	_ =	strace $0x80000046;
	[dreg:$0x1] =	wrdreg $0xFFFFFFFF  }
0xa7: {  	s28 =	simm.s32 $_size_execute0_lowered;
	s3 =	sadd.s32 s3, s5;
	[dreg:$0x0] =	wrdreg $0x0  }
0xa8: {  	s5 =	sshll.u32 s28, $0x1;
	[dreg:$0x2] =	wrdreg s3  }
0xa9: {  	[dreg:$0x3] =	wrdreg s5  }
0xaa: {  	[dreg:$0x4] =	wrdreg $0xC0  }
0xab: {  	_ =	task [dreg:s7], $0x5FFFF  }
0xac: {  	[dreg:$0x1] =	wrdreg $0xFFFFFFFF  }
0xad: {  	[dreg:$0x0] =	wrdreg $0x60  }
0xae: {  	[dreg:$0x2] =	wrdreg s24  }
0xaf: {  	[dreg:$0x3] =	wrdreg s2  }
0xb0: {  	[dreg:$0x4] =	wrdreg $0x9  }
0xb1: {  	_ =	task.clear_ibuf [dreg:s7], $0x5FFFF;
	_ =	strace $0x90000046  }
0xb2: {  	s29 =	simm.s32 $0x9;
	_ =	strace $0x80000048  }
0xb3: {  	_ =	swait.ge [sflag:s29], $0x1  }
0xb4: {  	[sflag:s29] =	ssyncadd.s32 $0xFFFFFFFF  }
0xb5: {  	_ =	strace $0x90000048  }
0xb6: {  	_ =	sfence  }
0xb7: {  	s30 =	sld [smem:$0x0];
	_ =	sdelay $0x2  }
0xb8: {  	s31 =	sshll.u32 s1, $0xD;
	s1 =	sshrl.u32 s1, $0x2  }
0xb9: {  	s3 =	sand.u32 $0x4000, s31;
	s1 =	sadd.s32 s1, s30  }
0xba: {  	s0 =	sor.u32 s3, s0;
	s1 =	sshll.u32 s1, $0x11  }
0xbb: {  	s0 =	sor.u32 s1, s0  }
0xbc: {  	s0 =	sadd.s32 $0x8F2B, s0  }
0xbd: {  	[sflag:s0] =	ssyncadd.remote.s32 $0x1  }
0xbe: {  	_ =	sfence.sel $0xFFFF  }
0xbf: {  	[dreg:$0x0] =	wrdreg $0xFFFFFFFF;
	(pc) =	sbr.abs _section_cstart, $3  }
0xc0: {  	[dreg:$0x1] =	wrdreg $0xFFFFFFFF  }
0xc1: {  	_ =	task.clear_ibuf [dreg:s7], $0x2FFFF;
	_ =	strace $0x9FFFFFFF  }
0xc2: {  	(tm) =	ssettm $0x7FFFFFFF  }
0xc3: {  	_ =	shalt  }
tec
execute0_lowered:
.L_overlay_start_1:
0x0: {  	(tag) =	ssettag $0x1  }
0x1: {  	s1 =	srdreg.scid  }
0x2: {  	s0 =	stileid.u32;
	s7 =	rddreg [dreg:$0x0]  }
0x3: {  	s4 =	simm.s32 $0x0;
	s11 =	simm.s32 $0x12600;
	s12 =	simm.s32 $0x5  }
0x4: {  	s13 =	simm.s32 $0x80;
	s14 =	simm.s32 $0x400;
	s15 =	simm.s32 $0x3100  }
0x5: {  	s16 =	simm.s32 $0x1880;
	s1 =	sand.u32 $0x1, s1;
	s2 =	sshll.u32 s0, $0x1  }
0x6: {  	s17 =	simm.s32 $0x4980;
	s18 =	simm.s32 $0x1;
	s3 =	sor.u32 s1, s2  }
0x7: {  	s19 =	simm.s32 $0x6200;
	s20 =	simm.s32 $0x2;
	s3 =	smul.u32 $0x30, s3  }
0x8: {  	s21 =	simm.s32 $0xC400;
	s22 =	simm.s32 $0x3;
	s23 =	simm.s32 $0x4  }
0x9: {  	s24 =	simm.s32 $0x0;
	[smem:$0x7FF] =	sst s4;
	s5 =	sshrl.u32 s3, $0x5  }
0xa: {  	s9 =	sshll.u32 s1, $0x9;
	s1 =	ssub.s32 $0x2, s1;
	s8 =	smul.u32 $0x31000, s5  }
0xb: {  	s6 =	sadd.s32 $0x800, s7;
	s2 =	rddreg [dreg:$0x1];
	s31 =	sshrl.u32 s1, $0x1  }
0xc: {  	_ =	strace $0x80000047;
	s1 =	ssub.s32 s1, s31;
	s8 =	sor.u32 s9, s8  }
0xd: {  	v1 =	vlaneseq.u32;
	s5 =	sadd.s32 $0x126800, s7;
	s7 =	sadd.s32 $0x24C800, s7;
	s10 =	sshrl.u32 s8, $0x3  }
0xe: {  	v0 =	vimm.f32 $0.0e+00;
	v1 =	vand.u32 $0x1, v1;
	s8 =	sadd.s32 s5, s10;
	s9 =	sadd.s32 s2, s10;
	s10 =	smax.u32 s1, $0x1  }
.LBB2_1:
0xf: {  	[tilespmem:s11], [sflag:$0x5] =	stream.linear.gather [hbm4b:s6+s4], $0x80, $0x38;
	[tilespmem:$0x12680] =	vst v63  }
0x10: {  	_ =	swait.ge [sflag:s12], $0x80  }
0x11: {  	[sflag:s12] =	ssyncset.done $0x0  }
0x12: {  	[sflag:s12] =	ssyncadd.s32 $0xFFFFFF80  }
0x13: {  	v2 =	vld [tilespmem:$0x12600];
	[tilespmem:s4], [sflag:$0x1] =	stream.strided.gather [hbm4b:s8+s13], $0x1880, s14, s13, $0x38  }
0x14: {  	s25 =	simm.s32 $0x0  }
0x15: {  	[tilespmem:s15], [sflag:$0x1] =	stream.strided.gather [hbm4b:s9+s13], $0x1880, s14, s13, $0x38;
	[tilespmem:$0x12680] =	vst v63  }
.LBB2_2:
0x16: {  	s1 =	sshll.u32 s25, $0x1  }
0x17: {  	s29 =	sadd.s32 s3, s1;
	s28 =	sand.u32 $0x2, s1  }
0x18: {  	s26 =	sshrl.u32 s29, $0x5;
	s1 =	smul.u32 $0xC400, s28  }
0x19: {  	s26 =	smul.u32 $0x31000, s26  }
0x1a: {  	s30 =	sshll.u32 s29, $0x5  }
0x1b: {  	s0 =	sand.u32 $0x380, s30;
	s1 =	sadd.s32 s26, s1  }
0x1c: {  	s1 =	sor.u32 s0, s1  }
0x1d: {  	s1 =	sadd.s32 $0xC400, s1  }
0x1e: {  	s1 =	sshrl.u32 s1, $0x3  }
0x1f: {  	s31 =	sadd.s32 s5, s1  }
0x20: {  	[tilespmem:s16], [sflag:$0x2] =	stream.strided.gather [hbm4b:s31+s13], $0x1880, s14, s13, $0x38;
	[tilespmem:$0x12680] =	vst v63  }
0x21: {  	p0 =	seq.s32 s25, $0x0;
	s1 =	sadd.s32 s2, s1  }
0x22: {  	[tilespmem:s17], [sflag:$0x2] =	stream.strided.gather [hbm4b:s1+s13], $0x1880, s14, s13, $0x38;
	[tilespmem:$0x12680] =	vst v63  }
0x23: {  	s1 =	simm.s32 @!p0 $0x3  }
0x24: {  	_ =	swait.ge @!p0 [sflag:s1], $0x6200  }
0x25: {  	[sflag:s1] =	ssyncset.done @!p0 $0x0  }
0x26: {  	[sflag:s1] =	ssyncadd.s32 @!p0 $0xFFFF9E00;
	s1 =	simm.s32 $0x6240  }
0x27: {  	[tilespmem:s1+$0xFFFFFFC0] =	vst v0  }
0x28: {  	[tilespmem:s1+$0x30] =	vst v0  }
0x29: {  	[tilespmem:s1+$0x20] =	vst v0  }
0x2a: {  	[tilespmem:s1+$0x10] =	vst v0  }
0x2b: {  	[tilespmem:s1+$0x0] =	vst v0  }
0x2c: {  	[tilespmem:s1+$0xFFFFFFF0] =	vst v0  }
0x2d: {  	s30 =	simm.s32 $0x0;
	s26 =	sshllo.u32 s25, $0x1;
	[tilespmem:s1+$0xFFFFFFE0] =	vst v0  }
.LBB2_3:
0x2e: {  	s30 =	sadd.s32 $0x80, s30;
	[tilespmem:s1+$0xFFFFFFD0] =	vst v0;
	s1 =	sadd.s32 $0x80, s1  }
0x2f: {  	[tilespmem:s1+$0xFFFFFFC0] =	vst v0;
	p0 =	slt.u32 s30, $0x6180  }
0x30: {  	[tilespmem:s1+$0x30] =	vst v0  }
.Ltmp0:
0x31: {  	[tilespmem:s1+$0x20] =	vst v0;
	(pc) =	sbr.rel @p0 .LBB2_3-.Ltmp0, $4  }
0x32: {  	[tilespmem:s1+$0x10] =	vst v0  }
0x33: {  	[tilespmem:s1+$0x0] =	vst v0  }
0x34: {  	[tilespmem:s1+$0xFFFFFFF0] =	vst v0  }
0x35: {  	[tilespmem:s1+$0xFFFFFFE0] =	vst v0  }
0x36: {  	[tilespmem:s1+$0xFFFFFFD0] =	vst v0  }
0x37: {  	_ =	swait.ge [sflag:s18], $0x1880  }
0x38: {  	[sflag:s18] =	ssyncset.done $0x0  }
0x39: {  	[sflag:s18] =	ssyncadd.s32 $0xFFFFE780  }
0x3a: {  	_ =	swait.ge [sflag:s18], $0x1880  }
0x3b: {  	[sflag:s18] =	ssyncset.done $0x0  }
0x3c: {  	s0 =	simm.s32 $0x3140;
	[sflag:s18] =	ssyncadd.s32 $0xFFFFE780  }
0x3d: {  	v3 =	vld [tilespmem:s0+$0x30]  }
0x3e: {  	v4 =	vld [tilespmem:s0+$0xFFFFFFC0]  }
0x3f: {  	v5 =	vld [tilespmem:s0+$0xFFFFFFD0]  }
0x40: {  	v7 =	vld [tilespmem:s0+$0xFFFFFFE0]  }
0x41: {  	v8 =	vld [tilespmem:s0+$0xFFFFFFF0]  }
0x42: {  	s30 =	smul.u32 $0x6200, s28;
	v11 =	vld [tilespmem:s0+$0x20];
	_ =	sdelay $0x1  }
0x43: {  	v6 =	vmov s30;
	v10 =	vld [tilespmem:s0+$0x10]  }
0x44: {  	v3 =	vadd.s32 v2, v3;
	v4 =	vadd.s32 v2, v4;
	v5 =	vadd.s32 v2, v5  }
0x45: {  	v7 =	vadd.s32 v2, v7;
	v3 =	vshll.u32 v3, $0x1;
	v13 =	vshll.u32 v4, $0x1  }
0x46: {  	v9 =	vld [tilespmem:s0+$0x0];
	v4 =	vadd.s32 v2, v8;
	v8 =	vshll.u32 v5, $0x1;
	v5 =	vadd.s32 v2, v11  }
0x47: {  	v12 =	vor.u32 v1, v3;
	v3 =	vsub.s32 v3, v6;
	v15 =	vshll.u32 v4, $0x1  }
0x48: {  	s30 =	simm.s32 $0x40;
	v4 =	vadd.s32 v2, v10;
	v23 =	vor.u32 v1, v13;
	v25 =	vor.u32 v1, v8  }
0x49: {  	v26 =	vshll.u32 v5, $0x1;
	v5 =	vld [tilespmem:s30+$0xFFFFFFF0];
	v27 =	vsub.s32 v8, v6;
	v3 =	vand.u32 $0xFFFFFF80, v3  }
0x4a: {  	v8 =	vld [tilespmem:s30+$0x10];
	v12 =	vand.u32 $0x7F, v12;
	v24 =	vshll.u32 v4, $0x1;
	v14 =	vor.u32 v1, v15  }
0x4b: {  	v20 =	vsub.s32 v15, v6;
	v22 =	vor.u32 v12, v3;
	v3 =	vadd.s32 v2, v9;
	v9 =	vld [tilespmem:s30+$0x30]  }
0x4c: {  	v10 =	vld [tilespmem:s30+$0x20];
	v15 =	vsub.s32 v26, v6;
	v12 =	vshll.u32 v7, $0x1;
	v7 =	vsub.s32 v13, v6  }
0x4d: {  	v4 =	vld [tilespmem:s30+$0xFFFFFFE0];
	v13 =	vor.u32 v1, v24;
	v18 =	vshll.u32 v3, $0x1;
	v11 =	vand.u32 $0xFFFFFF80, v7  }
0x4e: {  	v3 =	vld [tilespmem:s30+$0xFFFFFFD0];
	v17 =	vor.u32 v1, v12;
	v21 =	vsub.s32 v12, v6;
	v12 =	vor.u32 v1, v26  }
0x4f: {  	v7 =	vld [tilespmem:s30+$0x0];
	v16 =	vor.u32 v1, v18;
	v19 =	vsub.s32 v18, v6;
	v18 =	vsub.s32 v24, v6  }
0x50: {  	s31 =	simm.s32 $0x0;
	s1 =	simm.s32 $0x31C0;
	v24 =	vand.u32 $0x7F, v23;
	v23 =	vand.u32 $0x7F, v25;
	[tilespmem:v22+s19+$0x0] =	vst.idx.msk $0xffff, v9;
	v9 =	vld [tilespmem:s30+$0xFFFFFFC0];
	v22 =	vand.u32 $0xFFFFFF80, v27  }
.LBB2_5:
0x51: {  	v25 =	vld [tilespmem:s1+$0x30];
	s31 =	sadd.s32 $0x80, s31;
	v21 =	vand.u32 $0xFFFFFF80, v21;
	v17 =	vand.u32 $0x7F, v17;
	v20 =	vand.u32 $0xFFFFFF80, v20  }
0x52: {  	v14 =	vand.u32 $0x7F, v14;
	v19 =	vand.u32 $0xFFFFFF80, v19;
	v16 =	vand.u32 $0x7F, v16;
	v26 =	vld [tilespmem:s1+$0xFFFFFFC0];
	p0 =	slt.u32 s31, $0x1800;
	v27 =	vmovc v10  }
0x53: {  	v18 =	vand.u32 $0xFFFFFF80, v18;
	v13 =	vand.u32 $0x7F, v13;
	v15 =	vand.u32 $0xFFFFFF80, v15;
	v10 =	vld [tilespmem:s1+$0xFFFFFFD0]  }
0x54: {  	v11 =	vor.u32 v24, v11;
	v22 =	vor.u32 v23, v22;
	v12 =	vand.u32 $0x7F, v12;
	v28 =	vld [tilespmem:s1+$0xFFFFFFE0]  }
0x55: {  	v17 =	vor.u32 v17, v21;
	v14 =	vor.u32 v14, v20;
	v16 =	vor.u32 v16, v19;
	v23 =	vld [tilespmem:s1+$0xFFFFFFF0]  }
0x56: {  	v13 =	vor.u32 v13, v18;
	v19 =	vld [tilespmem:s1+$0x0];
	v20 =	vadd.s32 v2, v25;
	v25 =	vor.u32 v12, v15  }
0x57: {  	v12 =	vadd.s32 v2, v26;
	v15 =	vld [tilespmem:s1+$0x10];
	v18 =	vshll.u32 v20, $0x1  }
0x58: {  	v10 =	vadd.s32 v2, v10;
	v20 =	vld [tilespmem:s1+$0x20];
	v21 =	vor.u32 v1, v18;
	v18 =	vsub.s32 v18, v6  }
0x59: {  	s30 =	sadd.s32 $0x80, s30;
	v24 =	vadd.s32 v2, v28;
	v18 =	vand.u32 $0xFFFFFF80, v18;
	v21 =	vand.u32 $0x7F, v21;
	[tilespmem:v11+s19+$0x0] =	vst.idx.msk $0xffff, v9  }
0x5a: {  	v9 =	vshll.u32 v12, $0x1;
	v11 =	vadd.s32 v2, v23;
	v12 =	vld [tilespmem:s30+$0x30];
	v18 =	vor.u32 v21, v18;
	[tilespmem:v22+s19+$0x0] =	vst.idx.msk $0xffff, v3  }
0x5b: {  	v10 =	vshll.u32 v10, $0x1;
	v21 =	vshll.u32 v24, $0x1;
	v3 =	vld [tilespmem:s30+$0xFFFFFFD0];
	v19 =	vadd.s32 v2, v19;
	[tilespmem:v17+s19+$0x0] =	vst.idx.msk $0xffff, v4  }
0x5c: {  	v22 =	vshll.u32 v11, $0x1;
	v4 =	vld [tilespmem:s30+$0xFFFFFFE0];
	v19 =	vshll.u32 v19, $0x1;
	v11 =	vadd.s32 v2, v15;
	[tilespmem:v14+s19+$0x0] =	vst.idx.msk $0xffff, v5  }
0x5d: {  	v23 =	vor.u32 v1, v9;
	v5 =	vld [tilespmem:s30+$0xFFFFFFF0];
	v15 =	vshll.u32 v11, $0x1;
	v11 =	vadd.s32 v2, v20;
	[tilespmem:v16+s19+$0x0] =	vst.idx.msk $0xffff, v7  }
0x5e: {  	v9 =	vsub.s32 v9, v6;
	v26 =	vor.u32 v1, v10;
	v7 =	vld [tilespmem:s30+$0x0];
	v24 =	vshll.u32 v11, $0x1;
	[tilespmem:v13+s19+$0x0] =	vst.idx.msk $0xffff, v8  }
.Ltmp1:
0x5f: {  	v28 =	vsub.s32 v10, v6;
	v17 =	vor.u32 v1, v21;
	v11 =	vand.u32 $0xFFFFFF80, v9;
	v8 =	vld [tilespmem:s30+$0x10];
	[tilespmem:v18+s19+$0x0] =	vst.idx.msk $0xffff, v12;
	(pc) =	sbr.rel @p0 .LBB2_5-.Ltmp1, $4  }
0x60: {  	v21 =	vsub.s32 v21, v6;
	v14 =	vor.u32 v1, v22;
	v20 =	vsub.s32 v22, v6;
	v10 =	vld [tilespmem:s30+$0x20]  }
0x61: {  	v16 =	vor.u32 v1, v19;
	v19 =	vsub.s32 v19, v6;
	v13 =	vor.u32 v1, v15;
	v9 =	vld [tilespmem:s30+$0xFFFFFFC0]  }
0x62: {  	v18 =	vsub.s32 v15, v6;
	v12 =	vor.u32 v1, v24;
	v15 =	vsub.s32 v24, v6  }
0x63: {  	s1 =	sadd.s32 $0x80, s1;
	v22 =	vand.u32 $0xFFFFFF80, v28;
	v24 =	vand.u32 $0x7F, v23;
	v23 =	vand.u32 $0x7F, v26;
	[tilespmem:v25+s19+$0x0] =	vst.idx.msk $0xffff, v27  }
0x64: {  	s1 =	sand.u32 $0x1, s25  }
0x65: {  	p0 =	seq.s32 s29, $0x0;
	v6 =	vor.u32 v24, v11;
	p1 =	seq.s32 s1, $0x1  }
0x66: {  	v60 =	vand.u32 $0xFFFFFF80, v21;
	v17 =	vand.u32 $0x7F, v17;
	v61 =	vor.u32 v23, v22;
	p0 =	por !p0, !p1  }
0x67: {  	v20 =	vand.u32 $0xFFFFFF80, v20;
	v14 =	vand.u32 $0x7F, v14;
	s1 =	simm.s32 $0x1;
	v11 =	vor.u32 v17, v60;
	p0 =	por !p0, !p0  }
0x68: {  	s29 =	sshrl.u32 s29, $0x2;
	v62 =	vand.u32 $0xFFFFFF80, v19;
	v16 =	vand.u32 $0x7F, v16;
	v14 =	vor.u32 v14, v20;
	s1 =	simm.s32 @!p0 $0x0  }
0x69: {  	v18 =	vand.u32 $0xFFFFFF80, v18;
	v13 =	vand.u32 $0x7F, v13;
	v16 =	vor.u32 v16, v62;
	s1 =	ssub.s32 s29, s1  }
0x6a: {  	v15 =	vand.u32 $0xFFFFFF80, v15;
	v12 =	vand.u32 $0x7F, v12;
	s28 =	smul.u32 $0x31000, s28;
	v13 =	vor.u32 v13, v18;
	[tilespmem:v6+s19+$0x0] =	vst.idx.msk $0xffff, v9;
	s29 =	sshrl.u32 s1, $0x3  }
0x6b: {  	v63 =	vor.u32 v12, v15;
	[tilespmem:v61+s19+$0x0] =	vst.idx.msk $0xffff, v3;
	s29 =	smul.u32 $0xC4000, s29  }
0x6c: {  	[tilespmem:v11+s19+$0x0] =	vst.idx.msk $0xffff, v4;
	s1 =	sshll.u32 s1, $0x7  }
0x6d: {  	[tilespmem:v14+s19+$0x0] =	vst.idx.msk $0xffff, v5;
	s1 =	sand.u32 $0x380, s1;
	s28 =	sadd.s32 s28, s29  }
0x6e: {  	[tilespmem:v16+s19+$0x0] =	vst.idx.msk $0xffff, v7;
	s1 =	sor.u32 s1, s28  }
0x6f: {  	[tilespmem:v13+s19+$0x0] =	vst.idx.msk $0xffff, v8;
	s1 =	sshrl.u32 s1, $0x3  }
0x70: {  	p0 =	seq.s32 s25, $0x17;
	[tilespmem:v63+s19+$0x0] =	vst.idx.msk $0xffff, v10;
	s28 =	sadd.s32 s3, s26;
	s1 =	sadd.s32 s7, s1  }
0x71: {  	[hbm4b:s1+s13] =	stream.strided.scatter [tilespmem:s19], [sflag:$0x3], $0x6200, s14, s13, $0x38;
	[tilespmem:$0x12680] =	vst v63  }
0x72: {  	s1 =	sadd.s32 @!p0 $0x1, s28  }
0x73: {  	s29 =	sshrl.u32 @!p0 s1, $0x5  }
0x74: {  	s30 =	sand.u32 @!p0 $0x2, s1;
	s29 =	smul.u32 @!p0 $0x31000, s29  }
0x75: {  	s30 =	smul.u32 @!p0 $0xC400, s30  }
0x76: {  	s1 =	sshll.u32 @!p0 s1, $0x5  }
0x77: {  	s1 =	sand.u32 @!p0 $0x380, s1;
	s29 =	sadd.s32 @!p0 s30, s29  }
0x78: {  	s1 =	sor.u32 @!p0 s1, s29  }
0x79: {  	s31 =	simm.s32 @!p0 $0x400;
	s1 =	sshrl.u32 @!p0 s1, $0x3  }
0x7a: {  	s0 =	simm.s32 @!p0 $0x0;
	s30 =	simm.s32 @!p0 $0x80;
	s29 =	sadd.s32 @!p0 s5, s1  }
0x7b: {  	[tilespmem:s0], [sflag:$0x1] =	stream.strided.gather @!p0 [hbm4b:s29+s30], $0x1880, s31, s30, $0x38;
	[tilespmem:$0x12680] =	vst v63  }
0x7c: {  	p1 =	seq.s32 @!p0 s25, $0x0;
	s0 =	sadd.s32 @!p0 s2, s1;
	s1 =	simm.s32 @!p0 $0x3100  }
0x7d: {  	[tilespmem:s1], [sflag:$0x1] =	stream.strided.gather @!p0 [hbm4b:s0+s30], $0x1880, s31, s30, $0x38;
	[tilespmem:$0x12680] =	vst v63  }
0x7e: {  	p0 =	por p0, !p1  }
0x7f: {  	_ =	swait.ge @p0 [sflag:s23], $0x6200  }
0x80: {  	[sflag:s23] =	ssyncset.done @p0 $0x0  }
0x81: {  	s1 =	simm.s32 $0xC440;
	[sflag:s23] =	ssyncadd.s32 @p0 $0xFFFF9E00  }
0x82: {  	[tilespmem:s1+$0xFFFFFFC0] =	vst v0  }
0x83: {  	[tilespmem:s1+$0x30] =	vst v0  }
0x84: {  	[tilespmem:s1+$0x20] =	vst v0  }
0x85: {  	[tilespmem:s1+$0x10] =	vst v0  }
0x86: {  	[tilespmem:s1+$0x0] =	vst v0  }
0x87: {  	[tilespmem:s1+$0xFFFFFFF0] =	vst v0  }
0x88: {  	s29 =	simm.s32 $0x0;
	[tilespmem:s1+$0xFFFFFFE0] =	vst v0  }
.LBB2_7:
0x89: {  	s29 =	sadd.s32 $0x80, s29;
	[tilespmem:s1+$0xFFFFFFD0] =	vst v0;
	s1 =	sadd.s32 $0x80, s1  }
0x8a: {  	[tilespmem:s1+$0xFFFFFFC0] =	vst v0;
	p0 =	slt.u32 s29, $0x6180  }
0x8b: {  	[tilespmem:s1+$0x30] =	vst v0  }
.Ltmp2:
0x8c: {  	[tilespmem:s1+$0x20] =	vst v0;
	(pc) =	sbr.rel @p0 .LBB2_7-.Ltmp2, $4  }
0x8d: {  	[tilespmem:s1+$0x10] =	vst v0  }
0x8e: {  	[tilespmem:s1+$0x0] =	vst v0  }
0x8f: {  	[tilespmem:s1+$0xFFFFFFF0] =	vst v0  }
0x90: {  	[tilespmem:s1+$0xFFFFFFE0] =	vst v0  }
0x91: {  	[tilespmem:s1+$0xFFFFFFD0] =	vst v0  }
0x92: {  	_ =	swait.ge [sflag:s20], $0x1880  }
0x93: {  	[sflag:s20] =	ssyncset.done $0x0  }
0x94: {  	[sflag:s20] =	ssyncadd.s32 $0xFFFFE780  }
0x95: {  	_ =	swait.ge [sflag:s20], $0x1880  }
0x96: {  	[sflag:s20] =	ssyncset.done $0x0  }
0x97: {  	s0 =	simm.s32 $0x49C0;
	[sflag:s20] =	ssyncadd.s32 $0xFFFFE780  }
0x98: {  	v3 =	vld [tilespmem:s0+$0x30]  }
0x99: {  	v4 =	vld [tilespmem:s0+$0xFFFFFFC0]  }
0x9a: {  	v5 =	vld [tilespmem:s0+$0xFFFFFFD0]  }
0x9b: {  	v6 =	vld [tilespmem:s0+$0xFFFFFFE0]  }
0x9c: {  	v7 =	vld [tilespmem:s0+$0xFFFFFFF0]  }
0x9d: {  	s26 =	sand.u32 $0x3, s26;
	v8 =	vld [tilespmem:s0+$0x0]  }
0x9e: {  	s31 =	smul.u32 $0x6200, s26  }
0x9f: {  	v10 =	vld [tilespmem:s0+$0x10];
	v9 =	vadd.s32 v2, v3  }
0xa0: {  	v3 =	vmov s31;
	v4 =	vadd.s32 v2, v4;
	v5 =	vadd.s32 v2, v5  }
0xa1: {  	v6 =	vadd.s32 v2, v6;
	v9 =	vshll.u32 v9, $0x1;
	v13 =	vshll.u32 v4, $0x1  }
0xa2: {  	v4 =	vadd.s32 v2, v7;
	v7 =	vshll.u32 v5, $0x1;
	v5 =	vadd.s32 v2, v8  }
0xa3: {  	v12 =	vor.u32 v1, v9;
	v9 =	vsub.s32 v9, v3;
	v8 =	vshll.u32 v4, $0x1  }
0xa4: {  	s29 =	simm.s32 $0x18C0;
	v11 =	vld [tilespmem:s0+$0x20];
	v17 =	vshll.u32 v5, $0x1;
	v5 =	vadd.s32 v2, v10;
	v23 =	vor.u32 v1, v13  }
0xa5: {  	v22 =	vld [tilespmem:s29+$0x30];
	v10 =	vsub.s32 v13, v3;
	v24 =	vor.u32 v1, v7;
	v26 =	vsub.s32 v7, v3  }
0xa6: {  	v4 =	vld [tilespmem:s29+$0xFFFFFFD0];
	v9 =	vand.u32 $0xFFFFFF80, v9;
	v12 =	vand.u32 $0x7F, v12;
	v18 =	vshll.u32 v5, $0x1  }
0xa7: {  	v7 =	vld [tilespmem:s29+$0x0];
	v15 =	vor.u32 v1, v8;
	v19 =	vsub.s32 v8, v3;
	v9 =	vor.u32 v12, v9  }
0xa8: {  	v5 =	vld [tilespmem:s29+$0xFFFFFFE0];
	v16 =	vor.u32 v1, v17;
	v20 =	vsub.s32 v17, v3;
	v23 =	vand.u32 $0x7F, v23  }
0xa9: {  	v12 =	vshll.u32 v6, $0x1;
	v6 =	vadd.s32 v2, v11;
	v11 =	vand.u32 $0xFFFFFF80, v10;
	v10 =	vld [tilespmem:s29+$0x20]  }
0xaa: {  	v8 =	vld [tilespmem:s29+$0x10];
	v24 =	vand.u32 $0x7F, v24;
	v13 =	vor.u32 v1, v18;
	v18 =	vsub.s32 v18, v3  }
0xab: {  	v25 =	vshll.u32 v6, $0x1;
	v6 =	vld [tilespmem:s29+$0xFFFFFFF0];
	v14 =	vor.u32 v1, v12;
	v21 =	vsub.s32 v12, v3  }
0xac: {  	s30 =	simm.s32 $0x0;
	s1 =	simm.s32 $0x4A40;
	v12 =	vor.u32 v1, v25;
	v17 =	vsub.s32 v25, v3;
	[tilespmem:v9+s21+$0x0] =	vst.idx.msk $0xffff, v22;
	v9 =	vld [tilespmem:s29+$0xFFFFFFC0];
	v22 =	vand.u32 $0xFFFFFF80, v26  }
.LBB2_9:
0xad: {  	v25 =	vld [tilespmem:s1+$0x30];
	s30 =	sadd.s32 $0x80, s30;
	v21 =	vand.u32 $0xFFFFFF80, v21;
	v14 =	vand.u32 $0x7F, v14;
	v19 =	vand.u32 $0xFFFFFF80, v19  }
0xae: {  	v15 =	vand.u32 $0x7F, v15;
	v20 =	vand.u32 $0xFFFFFF80, v20;
	v16 =	vand.u32 $0x7F, v16;
	v26 =	vld [tilespmem:s1+$0xFFFFFFC0];
	p0 =	slt.u32 s30, $0x1800;
	v27 =	vmovc v10  }
0xaf: {  	v18 =	vand.u32 $0xFFFFFF80, v18;
	v13 =	vand.u32 $0x7F, v13;
	v17 =	vand.u32 $0xFFFFFF80, v17;
	v10 =	vld [tilespmem:s1+$0xFFFFFFD0]  }
0xb0: {  	v11 =	vor.u32 v23, v11;
	v22 =	vor.u32 v24, v22;
	v12 =	vand.u32 $0x7F, v12;
	v28 =	vld [tilespmem:s1+$0xFFFFFFE0]  }
0xb1: {  	v14 =	vor.u32 v14, v21;
	v15 =	vor.u32 v15, v19;
	v16 =	vor.u32 v16, v20;
	v23 =	vld [tilespmem:s1+$0xFFFFFFF0]  }
0xb2: {  	v13 =	vor.u32 v13, v18;
	v19 =	vld [tilespmem:s1+$0x0];
	v20 =	vadd.s32 v2, v25;
	v25 =	vor.u32 v12, v17  }
0xb3: {  	v12 =	vadd.s32 v2, v26;
	v17 =	vld [tilespmem:s1+$0x10];
	v18 =	vshll.u32 v20, $0x1  }
0xb4: {  	v10 =	vadd.s32 v2, v10;
	v20 =	vld [tilespmem:s1+$0x20];
	v21 =	vor.u32 v1, v18;
	v18 =	vsub.s32 v18, v3  }
0xb5: {  	s29 =	sadd.s32 $0x80, s29;
	v24 =	vadd.s32 v2, v28;
	v18 =	vand.u32 $0xFFFFFF80, v18;
	v21 =	vand.u32 $0x7F, v21;
	[tilespmem:v11+s21+$0x0] =	vst.idx.msk $0xffff, v9  }
0xb6: {  	v9 =	vshll.u32 v12, $0x1;
	v11 =	vadd.s32 v2, v23;
	v12 =	vld [tilespmem:s29+$0x30];
	v18 =	vor.u32 v21, v18;
	[tilespmem:v22+s21+$0x0] =	vst.idx.msk $0xffff, v4  }
0xb7: {  	v10 =	vshll.u32 v10, $0x1;
	v21 =	vshll.u32 v24, $0x1;
	v4 =	vld [tilespmem:s29+$0xFFFFFFD0];
	v19 =	vadd.s32 v2, v19;
	[tilespmem:v14+s21+$0x0] =	vst.idx.msk $0xffff, v5  }
0xb8: {  	v22 =	vshll.u32 v11, $0x1;
	v5 =	vld [tilespmem:s29+$0xFFFFFFE0];
	v23 =	vshll.u32 v19, $0x1;
	v11 =	vadd.s32 v2, v17;
	[tilespmem:v15+s21+$0x0] =	vst.idx.msk $0xffff, v6  }
0xb9: {  	v24 =	vor.u32 v1, v9;
	v6 =	vld [tilespmem:s29+$0xFFFFFFF0];
	v17 =	vshll.u32 v11, $0x1;
	v11 =	vadd.s32 v2, v20;
	[tilespmem:v16+s21+$0x0] =	vst.idx.msk $0xffff, v7  }
0xba: {  	v9 =	vsub.s32 v9, v3;
	v26 =	vor.u32 v1, v10;
	v7 =	vld [tilespmem:s29+$0x0];
	v28 =	vshll.u32 v11, $0x1;
	[tilespmem:v13+s21+$0x0] =	vst.idx.msk $0xffff, v8  }
.Ltmp3:
0xbb: {  	v29 =	vsub.s32 v10, v3;
	v14 =	vor.u32 v1, v21;
	v11 =	vand.u32 $0xFFFFFF80, v9;
	v8 =	vld [tilespmem:s29+$0x10];
	[tilespmem:v18+s21+$0x0] =	vst.idx.msk $0xffff, v12;
	(pc) =	sbr.rel @p0 .LBB2_9-.Ltmp3, $4  }
0xbc: {  	v21 =	vsub.s32 v21, v3;
	v15 =	vor.u32 v1, v22;
	v19 =	vsub.s32 v22, v3;
	v10 =	vld [tilespmem:s29+$0x20]  }
0xbd: {  	v16 =	vor.u32 v1, v23;
	v20 =	vsub.s32 v23, v3;
	v13 =	vor.u32 v1, v17;
	v9 =	vld [tilespmem:s29+$0xFFFFFFC0]  }
0xbe: {  	v18 =	vsub.s32 v17, v3;
	v12 =	vor.u32 v1, v28;
	v17 =	vsub.s32 v28, v3  }
0xbf: {  	s1 =	sadd.s32 $0x80, s1;
	v22 =	vand.u32 $0xFFFFFF80, v29;
	v23 =	vand.u32 $0x7F, v24;
	v24 =	vand.u32 $0x7F, v26;
	[tilespmem:v25+s21+$0x0] =	vst.idx.msk $0xffff, v27  }
0xc0: {  	v3 =	vor.u32 v23, v11  }
0xc1: {  	v60 =	vand.u32 $0xFFFFFF80, v21;
	v14 =	vand.u32 $0x7F, v14;
	v61 =	vor.u32 v24, v22  }
0xc2: {  	v19 =	vand.u32 $0xFFFFFF80, v19;
	v15 =	vand.u32 $0x7F, v15;
	v11 =	vor.u32 v14, v60  }
0xc3: {  	v62 =	vand.u32 $0xFFFFFF80, v20;
	v16 =	vand.u32 $0x7F, v16;
	v15 =	vor.u32 v15, v19  }
0xc4: {  	v18 =	vand.u32 $0xFFFFFF80, v18;
	v13 =	vand.u32 $0x7F, v13;
	v14 =	vor.u32 v16, v62  }
0xc5: {  	s0 =	sshrl.u32 s28, $0x5;
	v63 =	vand.u32 $0xFFFFFF80, v17;
	v12 =	vand.u32 $0x7F, v12;
	s1 =	smul.u32 $0x31000, s26;
	v13 =	vor.u32 v13, v18;
	[tilespmem:v3+s21+$0x0] =	vst.idx.msk $0xffff, v9  }
0xc6: {  	s25 =	sadd.s32 $0x1, s25;
	s0 =	smul.u32 $0xC4000, s0;
	v3 =	vor.u32 v12, v63;
	[tilespmem:v61+s21+$0x0] =	vst.idx.msk $0xffff, v4  }
0xc7: {  	s31 =	sshll.u32 s28, $0x5;
	p0 =	sne.s32 s25, $0x18;
	[tilespmem:v11+s21+$0x0] =	vst.idx.msk $0xffff, v5  }
.Ltmp4:
0xc8: {  	s26 =	sand.u32 $0x380, s31;
	s0 =	sadd.s32 s1, s0;
	[tilespmem:v15+s21+$0x0] =	vst.idx.msk $0xffff, v6;
	(pc) =	sbr.rel @p0 .LBB2_2-.Ltmp4, $4  }
0xc9: {  	s0 =	sor.u32 s26, s0;
	[tilespmem:v14+s21+$0x0] =	vst.idx.msk $0xffff, v7  }
0xca: {  	s0 =	sshrl.u32 s0, $0x3;
	[tilespmem:v13+s21+$0x0] =	vst.idx.msk $0xffff, v8  }
0xcb: {  	s0 =	sadd.s32 s7, s0;
	[tilespmem:v3+s21+$0x0] =	vst.idx.msk $0xffff, v10  }
0xcc: {  	[hbm4b:s0+s13] =	stream.strided.scatter [tilespmem:s21], [sflag:$0x4], $0x6200, s14, s13, $0x38;
	[tilespmem:$0x12680] =	vst v63  }
0xcd: {  	s24 =	sadd.s32 $0x1, s24  }
0xce: {  	_ =	swait.ge [sflag:s22], $0x6200;
	p0 =	sne.s32 s24, s10  }
.Ltmp5:
0xcf: {  	[sflag:s22] =	ssyncset.done $0x0;
	(pc) =	sbr.rel @p0 .LBB2_1-.Ltmp5, $4  }
0xd0: {  	[sflag:s22] =	ssyncadd.s32 $0xFFFF9E00  }
0xd1: {  	_ =	swait.ge [sflag:s23], $0x6200  }
0xd2: {  	[sflag:s23] =	ssyncset.done $0x0  }
0xd3: {  	[sflag:s23] =	ssyncadd.s32 $0xFFFF9E00  }
0xd4: {  	_ =	sfence.sel $0x180000  }
0xd5: {  	[bflag:$0x0] =	sbarrier.arrive $0xFFFF  }
0xd6: {  	_ =	strace $0x90000047  }
0xd7: {  	s0 =	stileid.u32;
	[bflag:$0x2] =	sbarrier.arrive $0xFFFF  }
0xd8: {  	p0 =	sne.s32 s0, $0x0;
	s0 =	rddreg [dreg:$0x2]  }
0xd9: {  	s0 =	sadd.s32 @!p0 $0x100000, s0  }
0xda: {  	[sflag:s0] =	ssyncadd.tile.s32 @!p0 $0x1;
	_ =	shalt  }
.Lfunc_end2:
_tile_overlayer_lowered:
.L_overlay_start_2:
0xdb: {  	(tag) =	ssettag $0x2  }
0xdc: {  	s0 =	rddreg [dreg:$0x0];
	s2 =	stileid.u32  }
0xdd: {  	s1 =	rddreg [dreg:$0x1];
	p0 =	sne.s32 s2, $0x0  }
0xde: {  	s3 =	rddreg [dreg:$0x2];
	[bflag:$0x3] =	sbarrier.arrive $0xFFFF;
	s2 =	simm.s32 @!p0 $0x1C05  }
0xdf: {  	[timem:s3], [sflag:s2] =	dma.local @!p0 [hbm:s0], s1  }
0xe0: {  	s0 =	simm.s32 @!p0 $0x5  }
0xe1: {  	_ =	swait.ge @!p0 [sflag:s0], s1  }
0xe2: {  	s1 =	ssub.s32 @!p0 $0x0, s1;
	[sflag:s0] =	ssyncset.done @!p0 $0x0  }
0xe3: {  	[sflag:s0] =	ssyncadd.s32 @!p0 s1  }
0xe4: {  	[bflag:$0x3] =	sbarrier.arrive $0xFFFF  }
0xe5: {  	_ =	shalt  }

// kernel: sparse-core-data-format-call.cloned.1.call-start
scs
called_computation_lowered:
.L_overlay_start_0:
0x0: {  	s2 =	sld [smem:$0x3FD9]  }
0x1: {  	s3 =	sld [smem:$0x3FFE];
	_ =	sdelay $0x1  }
0x2: {  	s1 =	srdreg.scid  }
0x3: {  	s0 =	sand.u32 $0x1, s1  }
0x4: {  	s18 =	sshll.u32 s0, $0xA;
	s2 =	sadd.s32 s3, s2  }
0x5: {  	s2 =	sadd.s32 s2, s18  }
0x6: {  	[smem:$0x3FC5] =	sst s2  }
0x7: {  	_ = 	snop  }
0x8: {  	s2 =	sld [smem:$0x3FD0];
	(tm) =	ssettm $0x1  }
0x9: {  	s19 =	sld [smem:$0x3FFB];
	_ =	sdelay $0x3  }
0xa: {  	_ =	strace s19  }
0xb: {  	s3 =	sld [smem:$0x3FFC];
	_ =	sdelay $0x3  }
0xc: {  	_ =	strace s3  }
0xd: {  	s3 =	sld [smem:$0x3FFD];
	_ =	sdelay $0x3  }
0xe: {  	_ =	strace s3  }
0xf: {  	_ =	strace $0x8FFFFFFF  }
0x10: {  	s20 =	sld [smem:$0x3FDB];
	_ =	sdelay $0x1  }
0x11: {  	s4 =	simm.s32 $_scs_section_size  }
0x12: {  	s5 =	simm.s32 $_size__tile_overlayer_lowered;
	s6 =	simm.s32 $_tile_overlayer_lowered  }
0x13: {  	s23 =	simm.s32 $0x1BFF;
	s22 =	sshll.u32 s6, $0x1;
	s3 =	sadd.s32 s4, s20  }
0x14: {  	s7 =	simm.s32 $0x0;
	s21 =	sshll.u32 s5, $0x1;
	s5 =	sadd.s32 s22, s3  }
0x15: {  	[timem:s7], [sflag:s23] =	dma.local [hbm:s5], s21  }
0x16: {  	_ =	swait.ge [sflag:s23], s21  }
0x17: {  	s4 =	ssub.s32 $0x0, s21;
	[sflag:s23] =	ssyncset.done $0x0  }
0x18: {  	[sflag:s23] =	ssyncadd.s32 s4;
	_ =	sdelay $0x1  }
0x19: {  	s24 =	simm.s32 $0x1B8B  }
0x1a: {  	_ =	swait.ge [sflag:s24], $0x1  }
0x1b: {  	[sflag:s24] =	ssyncset.done $0x0  }
0x1c: {  	s26 =	simm.s32 $0x1B8E;
	s25 =	sld [smem:$0x3FFE];
	[sflag:s24] =	ssyncadd.s32 $0xFFFFFFFF  }
0x1d: {  	s27 =	simm.s32 $execute0_lowered;
	[smem:$0x3FD2] =	sst s26  }
0x1e: {  	s5 =	sshll.u32 s27, $0x1;
	_ =	strace $0x80000049;
	[dreg:$0x1] =	wrdreg $0xFFFFFFFF  }
0x1f: {  	s28 =	simm.s32 $_size_execute0_lowered;
	s3 =	sadd.s32 s3, s5;
	[dreg:$0x0] =	wrdreg $0x0  }
0x20: {  	s5 =	sshll.u32 s28, $0x1;
	[dreg:$0x2] =	wrdreg s3  }
0x21: {  	[dreg:$0x3] =	wrdreg s5  }
0x22: {  	[dreg:$0x4] =	wrdreg $0xC0  }
0x23: {  	_ =	task [dreg:s7], $0x5FFFF  }
0x24: {  	[dreg:$0x1] =	wrdreg $0xFFFFFFFF  }
0x25: {  	[dreg:$0x0] =	wrdreg $0x60  }
0x26: {  	[dreg:$0x2] =	wrdreg s25  }
0x27: {  	[dreg:$0x3] =	wrdreg s2  }
0x28: {  	[dreg:$0x4] =	wrdreg $0x9  }
0x29: {  	_ =	task.clear_ibuf [dreg:s7], $0x5FFFF;
	_ =	strace $0x90000049  }
0x2a: {  	s29 =	simm.s32 $0x9;
	_ =	strace $0x8000004B  }
0x2b: {  	_ =	swait.ge [sflag:s29], $0x1  }
0x2c: {  	[sflag:s29] =	ssyncadd.s32 $0xFFFFFFFF  }
0x2d: {  	_ =	strace $0x9000004B  }
0x2e: {  	_ =	sfence  }
0x2f: {  	s30 =	sld [smem:$0x0];
	_ =	sdelay $0x2  }
0x30: {  	s31 =	sshll.u32 s1, $0xD;
	s1 =	sshrl.u32 s1, $0x2  }
0x31: {  	s3 =	sand.u32 $0x4000, s31;
	s1 =	sadd.s32 s1, s30  }
0x32: {  	s0 =	sor.u32 s3, s0;
	s1 =	sshll.u32 s1, $0x11  }
0x33: {  	s0 =	sor.u32 s1, s0  }
0x34: {  	s0 =	sadd.s32 $0x8F2B, s0  }
0x35: {  	[sflag:s0] =	ssyncadd.remote.s32 $0x1  }
0x36: {  	_ =	sfence.sel $0xFFFF  }
0x37: {  	[dreg:$0x0] =	wrdreg $0xFFFFFFFF;
	(pc) =	sbr.abs _section_cstart, $3  }
0x38: {  	[dreg:$0x1] =	wrdreg $0xFFFFFFFF  }
0x39: {  	_ =	task.clear_ibuf [dreg:s7], $0x2FFFF;
	_ =	strace $0x9FFFFFFF  }
0x3a: {  	(tm) =	ssettm $0x7FFFFFFF  }
0x3b: {  	_ =	shalt  }
tec
execute0_lowered:
.L_overlay_start_1:
0x0: {  	(tag) =	ssettag $0x1  }
0x1: {  	s0 =	rddreg [dreg:$0x0];
	s1 =	srdreg.scid  }
0x2: {  	_ =	strace $0x8000004A;
	s30 =	stileid.u32;
	s2 =	simm.s32 $0x1  }
0x3: {  	s31 =	simm.s32 $0x2;
	s19 =	simm.s32 $0x0;
	p0 =	por $0x0, $0x0  }
0x4: {  	s17 =	simm.s32 $0x0;
	s18 =	simm.s32 $0x0;
	s20 =	simm.s32 $0x0  }
0x5: {  	s8 =	simm.s32 $0x0;
	s9 =	simm.s32 $0x0;
	s11 =	simm.s32 $0x0  }
.Ltmp0:
0x6: {  	s12 =	simm.s32 $0x0;
	s13 =	simm.s32 $0x0;
	(pc) =	sbr.rel .LBB1_1-.Ltmp0, $4  }
0x7: {  	s14 =	simm.s32 $0x0;
	s15 =	simm.s32 $0x0;
	s29 =	sshll.u32 s1, $0x4  }
0x8: {  	s10 =	simm.s32 $0x0;
	s6 =	sadd.s32 $0x800, s0;
	s0 =	sand.u32 $0x10, s29  }
0x9: {  	[sflag:s2] =	ssyncpa.u1 $0x0;
	[dreg:$0x3] =	wrdreg s6;
	s7 =	sor.u32 s30, s0  }
0xa: {  	[sflag:s31] =	ssyncpa.u1 $0x0;
	s16 =	smov.u32 s7;
	[dreg:$0x4] =	wrdreg s7  }
.LBB1_15:
0xb: {  	s11 =	rddreg [dreg:$0x8]  }
0xc: {  	s1 =	rddreg [dreg:$0x12]  }
0xd: {  	s25 =	rddreg [dreg:$0x14]  }
0xe: {  	s9 =	rddreg [dreg:$0x6]  }
0xf: {  	s3 =	rddreg [dreg:$0x13]  }
0x10: {  	s27 =	rddreg [dreg:$0x16]  }
0x11: {  	s12 =	rddreg [dreg:$0x9]  }
0x12: {  	s8 =	rddreg [dreg:$0x5]  }
0x13: {  	s6 =	rddreg [dreg:$0x1]  }
0x14: {  	s7 =	rddreg [dreg:$0x4]  }
0x15: {  	s10 =	rddreg [dreg:$0x7]  }
0x16: {  	s13 =	rddreg [dreg:$0xa]  }
0x17: {  	s14 =	rddreg [dreg:$0xb]  }
0x18: {  	s15 =	rddreg [dreg:$0xc]  }
0x19: {  	s16 =	rddreg [dreg:$0xd];
	p1 =	sgt.s32 s11, $0x80;
	s0 =	smov.u32 s11  }
0x1a: {  	s17 =	rddreg [dreg:$0xe];
	s0 =	simm.s32 @!p1 $0x80  }
0x1b: {  	s18 =	rddreg [dreg:$0xf];
	s0 =	sadd.s32 s1, s0  }
0x1c: {  	s31 =	simm.s32 $0x1C000;
	s19 =	rddreg [dreg:$0x10];
	s1 =	sadd.s32 $0xFFFFFF80, s0  }
0x1d: {  	s20 =	rddreg [dreg:$0x11];
	s0 =	ssub.s32 $0x100, s0;
	p1 =	sgt.s32 s1, $0x7F  }
0x1e: {  	s26 =	sshll.u32 s9, $0x7;
	s2 =	sand.u32 $0x78, s11;
	s0 =	simm.s32 @p1 $0x0  }
0x1f: {  	s28 =	sshll.u32 s12, $0x6;
	s4 =	sshrl.u32 s11, $0x2;
	s0 =	smul.u32 s0, s25  }
0x20: {  	s5 =	smul.u32 $0x150000, s8;
	s29 =	sand.u32 $0x7, s11;
	s1 =	sand.u32 $0x80, s26  }
0x21: {  	s4 =	sand.u32 $0x20, s4;
	s1 =	sor.u32 s2, s1;
	s0 =	smul.u32 s3, s0  }
0x22: {  	s2 =	sadd.s32 s6, s28;
	s6 =	rddreg [dreg:$0x3];
	s3 =	smul.u32 $0x4080, s27  }
0x23: {  	s2 =	sadd.s32 s4, s2;
	s4 =	sshll.u32 s29, $0x12;
	s0 =	smul.u32 $0x60, s0  }
0x24: {  	s1 =	sshrl.u32 s1, $0x3;
	s2 =	sadd.s32 s5, s2;
	s30 =	sor.u32 $0x80, s4  }
0x25: {  	s1 =	sadd.s32 s1, s2;
	s3 =	sor.u32 $0x8000, s3;
	s0 =	sand.u32 $0x3FFFFFE0, s0  }
0x26: {  	[hbm4b:s1+s30] =	stream.strided.scatter [tilespmem:s3], [sflag:$0x2], s0, s31, s30, $0x20;
	[tilespmem:$0x10100] =	vst v63  }
.LBB1_16:
0x27: {  	p1 =	slt.u32 s10, $0x2;
	s1 =	smov.u32 s19;
	s2 =	smov.u32 s20  }
0x28: {  	s5 =	smov.u32 s17;
	s10 =	sadd.s32 $0x1, s10;
	p0 =	por !p0, !p0  }
0x29: {  	p2 =	sgt.s32 @!p1 s19, $0x3;
	s0 =	sshra.s32 @!p1 s19, $0x1F;
	p3 =	sgt.s32 @!p1 s20, $0xDF  }
0x2a: {  	s3 =	sshra.s32 @!p1 s20, $0x1F;
	p2 =	por !p2, p1;
	s0 =	sand.u32 @!p1 s0, s19  }
0x2b: {  	p3 =	por !p3, p1;
	s3 =	sand.u32 @!p1 s3, s20;
	s19 =	smov.u32 s8  }
0x2c: {  	s1 =	simm.s32 @p2 $0x3;
	s2 =	simm.s32 @p3 $0xDF;
	p2 =	sgt.s32 @!p1 s18, $0x80  }
0x2d: {  	s0 =	ssub.s32 @!p1 s1, s0;
	s1 =	ssub.s32 @!p1 s2, s3;
	s3 =	sshra.s32 @!p1 s18, $0x1F  }
0x2e: {  	p2 =	por !p2, p1;
	s2 =	sadd.s32 @!p1 $0xFFFFFF21, s1;
	s3 =	sand.u32 @!p1 s3, s18  }
0x2f: {  	s4 =	sadd.s32 @!p1 $0xFFFFFFFD, s0;
	p3 =	sgt.s32 @!p1 s2, $0x0;
	s2 =	smov.u32 s18  }
0x30: {  	s0 =	ssub.s32 @!p1 $0x4, s0;
	s1 =	ssub.s32 @!p1 $0xE0, s1;
	s2 =	simm.s32 @p2 $0x80  }
0x31: {  	p2 =	sgt.s32 @!p1 s17, $0x1;
	s2 =	ssub.s32 @!p1 s2, s3;
	s3 =	sshra.s32 @!p1 s17, $0x1F  }
0x32: {  	s0 =	smul.u32 @!p1 $0x60, s0;
	p2 =	por !p2, p1;
	s3 =	sand.u32 @!p1 s3, s17  }
0x33: {  	p3 =	por !p3, p1;
	s5 =	simm.s32 @p2 $0x1;
	s3 =	sxor.u32 @!p1 $0xFFFFFFFF, s3  }
0x34: {  	s1 =	simm.s32 @!p3 $0x0;
	s3 =	sadd.s32 @!p1 s3, s5;
	s5 =	sadd.s32 @!p1 $0xFFFFFF80, s2  }
0x35: {  	s2 =	ssub.s32 @!p1 $0x100, s2;
	p2 =	sgt.s32 @!p1 s3, $0x0;
	p3 =	sgt.s32 @!p1 s5, $0x7F  }
0x36: {  	s3 =	ssub.s32 @!p1 $0x1, s3;
	p2 =	por !p2, p1;
	p3 =	por !p3, p1  }
0x37: {  	s5 =	sadd.s32 $0x1, s13;
	s3 =	simm.s32 @!p2 $0x0;
	s2 =	simm.s32 @!p3 $0x0  }
0x38: {  	p2 =	sgt.s32 s5, $0x3;
	s1 =	smul.u32 @!p1 s1, s3;
	s3 =	simm.s32 $0x1  }
0x39: {  	p3 =	sgt.s32 @!p1 s4, $0x0;
	s4 =	smov.u32 s15;
	s3 =	simm.s32 @!p2 $0x0  }
0x3a: {  	p3 =	por !p3, p1;
	s1 =	smul.u32 @!p1 s2, s1;
	s2 =	sadd.s32 s3, s14  }
0x3b: {  	s0 =	simm.s32 @!p3 $0x0;
	s3 =	sadd.s32 $0x80, s15;
	p3 =	sgt.s32 s2, $0x1  }
0x3c: {  	s5 =	simm.s32 @p2 $0x0;
	s0 =	smul.u32 @!p1 s0, s1;
	s4 =	smov.u32 @p3 s3  }
0x3d: {  	s1 =	sadd.s32 $0x20, s16;
	s3 =	smov.u32 s16;
	p2 =	sgt.s32 s4, $0xDF  }
0x3e: {  	s20 =	smov.u32 s12;
	s8 =	smov.u32 s13;
	s3 =	smov.u32 @p2 s1  }
0x3f: {  	s12 =	smov.u32 s16;
	s4 =	simm.s32 @p2 $0x0;
	p2 =	sgt.s32 s3, $0xDF  }
0x40: {  	s18 =	smov.u32 s11;
	s3 =	smov.u32 @p2 s7;
	p2 =	sne.s32 s10, $0x72  }
.Ltmp1:
0x41: {  	s11 =	smov.u32 s15;
	s17 =	smov.u32 s9;
	(pc) =	sbr.rel @!p2 .LBB1_17-.Ltmp1, $4  }
0x42: {  	s9 =	smov.u32 s14;
	s0 =	sand.u32 @!p1 $0x3FFFFFE0, s0;
	s1 =	simm.s32 @!p1 $0x2  }
0x43: {  	s13 =	smov.u32 s5;
	s2 =	simm.s32 @p3 $0x0;
	_ =	swait.ge @!p1 [sflag:s1], s0  }
0x44: {  	s14 =	smov.u32 s2;
	s0 =	ssub.s32 @!p1 $0x0, s0;
	[sflag:s1] =	ssyncset.done @!p1 $0x0  }
0x45: {  	s15 =	smov.u32 s4;
	[sflag:s1] =	ssyncadd.s32 @!p1 s0;
	s16 =	smov.u32 s3  }
.LBB1_1:
0x46: {  	p1 =	sgt.u32 s10, $0x6F;
	s0 =	smov.u32 s15;
	s2 =	smov.u32 s16  }
0x47: {  	p2 =	sgt.s32 @!p1 s16, $0xDF;
	p3 =	sgt.s32 @!p1 s15, $0x60;
	s1 =	sshra.s32 @!p1 s15, $0x1F  }
0x48: {  	s3 =	sshra.s32 @!p1 s16, $0x1F;
	s4 =	sshra.s32 @!p1 s13, $0x1F;
	p3 =	por !p3, p1  }
0x49: {  	p2 =	por !p2, p1;
	s1 =	sand.u32 @!p1 s1, s15;
	s0 =	simm.s32 @p3 $0x60  }
0x4a: {  	s3 =	sand.u32 @!p1 s3, s16;
	s2 =	simm.s32 @p2 $0xDF;
	s0 =	ssub.s32 @!p1 s0, s1  }
0x4b: {  	s4 =	sand.u32 @!p1 s4, s13;
	s1 =	ssub.s32 @!p1 s2, s3;
	s2 =	sadd.s32 @!p1 $0xFFFFFFA0, s0  }
0x4c: {  	p3 =	sgt.s32 @!p1 s14, $0x1;
	s3 =	smov.u32 s14;
	p2 =	sgt.s32 @!p1 s2, $0x7F  }
0x4d: {  	s0 =	ssub.s32 @!p1 $0xE0, s0;
	s2 =	sshra.s32 @!p1 s14, $0x1F;
	p2 =	por !p2, p1  }
0x4e: {  	s1 =	sadd.s32 @!p1 $0xFFFFFF21, s1;
	s2 =	sand.u32 @!p1 s2, s14;
	s0 =	simm.s32 @!p2 $0x0  }
0x4f: {  	p2 =	por !p3, p1;
	s2 =	sxor.u32 @!p1 $0xFFFFFFFF, s2;
	p3 =	sgt.s32 @!p1 s1, $0x0  }
0x50: {  	s1 =	sshll.u32 @!p1 s1, $0x7;
	s3 =	simm.s32 @p2 $0x1;
	p2 =	sgt.s32 @!p1 s13, $0x3  }
0x51: {  	s1 =	ssub.s32 @!p1 $0x80, s1;
	p3 =	por !p3, p1;
	s2 =	sadd.s32 @!p1 s2, s3  }
0x52: {  	p2 =	por !p2, p1;
	s3 =	smov.u32 s13;
	s1 =	simm.s32 @!p3 $0x0  }
0x53: {  	s3 =	simm.s32 @p2 $0x3;
	p2 =	sgt.s32 @!p1 s2, $0x0;
	s2 =	ssub.s32 @!p1 $0x1, s2  }
0x54: {  	s0 =	smul.u32 @!p1 s0, s1;
	p2 =	por !p2, p1;
	s3 =	ssub.s32 @!p1 s3, s4  }
0x55: {  	s2 =	simm.s32 @!p2 $0x0;
	s4 =	sadd.s32 @!p1 $0xFFFFFFFD, s3  }
0x56: {  	s1 =	sxor.u32 @!p1 $0xFFFFFFFF, s10;
	p2 =	sgt.s32 @!p1 s4, $0x0;
	s0 =	smul.u32 @!p1 s2, s0  }
0x57: {  	s2 =	ssub.s32 @!p1 $0x4, s3;
	s3 =	smul.u32 @!p1 $0x7000, s16;
	p2 =	por !p2, p1  }
0x58: {  	s5 =	sshll.u32 @!p1 s13, $0x4;
	s1 =	sshll.u32 @!p1 s1, $0xE;
	s2 =	simm.s32 @!p2 $0x0  }
0x59: {  	s3 =	sadd.s32 @!p1 s6, s3;
	s0 =	smul.u32 @!p1 s2, s0;
	s2 =	sshll.u32 @!p1 s15, $0x7  }
0x5a: {  	s1 =	sand.u32 @!p1 $0x4000, s1;
	s4 =	sshll.u32 @!p1 s14, $0x6;
	s2 =	sadd.s32 @!p1 s2, s3  }
0x5b: {  	s3 =	sand.u32 @!p1 $0x30, s5;
	s0 =	sand.u32 @!p1 $0x3FFFFF80, s0;
	s2 =	sadd.s32 @!p1 s4, s2  }
0x5c: {  	s4 =	simm.s32 @!p1 $0x400;
	s2 =	sadd.s32 @!p1 s3, s2;
	s3 =	simm.s32 @!p1 $0x80  }
0x5d: {  	[tilespmem:s1], [sflag:$0x1] =	stream.strided.gather @!p1 [hbm4b:s2+s3], s0, s4, s3, $0x38;
	[tilespmem:$0x10100] =	vst v63  }
0x5e: {  	p1 =	seq.s32 s10, $0x0  }
0x5f: {  	p2 =	seq.s32 @!p1 s10, $0x71  }
0x60: {  	p1 =	por p1, p2  }
.Ltmp2:
0x61: {  	_ = 	snop;
	(pc) =	sbr.rel @p1 .LBB1_16-.Ltmp2, $1  }
0x62: {  	_ =	sdelay $0x3  }
0x63: {  	[dreg:$0x11] =	wrdreg s20  }
0x64: {  	[dreg:$0x10] =	wrdreg s19  }
0x65: {  	[dreg:$0xf] =	wrdreg s18  }
0x66: {  	[dreg:$0xe] =	wrdreg s17  }
0x67: {  	[dreg:$0xd] =	wrdreg s16  }
0x68: {  	[dreg:$0xc] =	wrdreg s15  }
0x69: {  	[dreg:$0xb] =	wrdreg s14  }
0x6a: {  	p1 =	sgt.s32 s12, $0xDF;
	s0 =	smov.u32 s12;
	s1 =	sshra.s32 s12, $0x1F  }
0x6b: {  	s25 =	ssub.s32 $0x0, s11;
	s2 =	sshra.s32 s11, $0x1F;
	p2 =	sgt.s32 s11, $0x60  }
0x6c: {  	s26 =	sshra.s32 s9, $0x1F;
	s3 =	smov.u32 s9;
	s5 =	sshra.s32 s8, $0x1F  }
0x6d: {  	s0 =	simm.s32 @!p1 $0xDF;
	s1 =	sand.u32 s1, s12;
	s4 =	sand.u32 s25, s2  }
0x6e: {  	s2 =	sand.u32 s26, s9;
	s5 =	sand.u32 s5, s8;
	s0 =	ssub.s32 s0, s1  }
0x6f: {  	[dreg:$0x12] =	wrdreg s4;
	s2 =	sxor.u32 $0xFFFFFFFF, s2;
	s1 =	sadd.s32 $0xFFFFFF21, s0  }
0x70: {  	s0 =	ssub.s32 $0xE0, s0;
	p1 =	sgt.s32 s1, $0x0;
	s1 =	smov.u32 s11  }
0x71: {  	s1 =	simm.s32 @!p2 $0x60;
	p2 =	sgt.s32 s9, $0x1;
	s0 =	simm.s32 @p1 $0x0  }
0x72: {  	s1 =	sadd.s32 s4, s1;
	s3 =	simm.s32 @!p2 $0x1;
	p2 =	sgt.s32 s8, $0x3  }
0x73: {  	s4 =	sadd.s32 $0xFFFFFFA0, s1;
	s2 =	sadd.s32 s2, s3;
	s3 =	smov.u32 s8  }
0x74: {  	p1 =	sgt.s32 s2, $0x0;
	s2 =	ssub.s32 $0x1, s2;
	s3 =	simm.s32 @!p2 $0x3  }
0x75: {  	s1 =	ssub.s32 $0xE0, s1;
	s2 =	simm.s32 @p1 $0x0;
	s3 =	ssub.s32 s3, s5  }
0x76: {  	p2 =	sgt.s32 s4, $0x7F;
	s28 =	sadd.s32 $0xFFFFFFFD, s3;
	s0 =	smul.u32 s0, s2  }
0x77: {  	s1 =	simm.s32 @p2 $0x0;
	s3 =	ssub.s32 $0x4, s3;
	p1 =	sgt.s32 s28, $0x0  }
0x78: {  	[dreg:$0x14] =	wrdreg s0;
	s0 =	smul.u32 s1, s0;
	s1 =	sadd.s32 $0x1, s12  }
0x79: {  	s2 =	sadd.s32 $0x80, s11;
	s3 =	simm.s32 @p1 $0x0;
	p1 =	slt.s32 s1, $0xE0  }
0x7a: {  	[dreg:$0xa] =	wrdreg s13;
	s1 =	simm.s32 @!p1 $0xE0;
	p1 =	slt.s32 s2, $0xE0  }
0x7b: {  	s29 =	ssub.s32 s1, s12;
	s2 =	simm.s32 @!p1 $0xE0;
	s1 =	sadd.s32 $0x1, s9  }
0x7c: {  	s24 =	ssub.s32 s2, s11;
	p2 =	slt.s32 s1, $0x2;
	p1 =	slt.s32 s29, $0x1  }
0x7d: {  	s2 =	sadd.s32 $0x1, s8;
	s1 =	simm.s32 @!p2 $0x2;
	p2 =	slt.s32 @!p1 s24, $0x1  }
0x7e: {  	p3 =	slt.s32 s2, $0x4;
	s25 =	ssub.s32 s1, s9;
	p2 =	por p1, p2  }
0x7f: {  	[dreg:$0x9] =	wrdreg s12;
	s2 =	simm.s32 @!p3 $0x4;
	p3 =	slt.s32 @!p2 s25, $0x1  }
0x80: {  	[dreg:$0x8] =	wrdreg s11;
	s27 =	ssub.s32 s2, s8;
	p2 =	por p2, p3  }
0x81: {  	[dreg:$0x6] =	wrdreg s9;
	s0 =	smul.u32 s3, s0;
	p3 =	slt.s32 @!p2 s27, $0x1  }
0x82: {  	[dreg:$0x5] =	wrdreg s8;
	p2 =	por p2, p3  }
.Ltmp3:
0x83: {  	[dreg:$0x13] =	wrdreg s3;
	s0 =	sshll.u32 s0, $0x7;
	(pc) =	sbr.rel @p2 .LBB1_15-.Ltmp3, $4  }
0x84: {  	s30 =	simm.s32 $0x1;
	[dreg:$0x15] =	wrdreg s29;
	s0 =	sand.u32 $0x3FFFFF80, s0  }
0x85: {  	s31 =	sand.u32 $0x1, s10;
	_ =	swait.ge [sflag:s30], s0  }
0x86: {  	s0 =	ssub.s32 $0x0, s0;
	[dreg:$0x7] =	wrdreg s10;
	[sflag:s30] =	ssyncset.done $0x0  }
0x87: {  	[dreg:$0x16] =	wrdreg s31;
	[sflag:s30] =	ssyncadd.s32 s0  }
0x88: {  	s0 =	simm.s32 $0x1  }
0x89: {  	s0 =	simm.s32 @!p0 $0x0  }
0x8a: {  	s0 =	smul.u32 $0x10200, s0  }
.Ltmp4:
0x8b: {  	_ = 	snop;
	(pc) =	sbr.rel .LBB1_4-.Ltmp4, $4  }
0x8c: {  	s2 =	rddreg [dreg:$0x16]  }
0x8d: {  	s6 =	simm.s32 $0x0;
	s2 =	sshll.u32 @!p1 s2, $0xE;
	s1 =	sshrl.u32 s0, $0x2  }
0x8e: {  	s28 =	sor.u32 $0x8000, s1;
	s29 =	sadd.s32 $0x8810, s1;
	s30 =	sadd.s32 $0x9020, s1  }
0x8f: {  	s31 =	sadd.s32 $0x9830, s1;
	s0 =	sadd.s32 $0xA040, s1;
	s1 =	sadd.s32 $0xA850, s1  }
.LBB1_14:
0x90: {  	s6 =	sadd.s32 $0x1, s6;
	s3 =	rddreg [dreg:$0x15]  }
0x91: {  	p1 =	sne.s32 s6, s3  }
.Ltmp5:
0x92: {  	_ = 	snop;
	(pc) =	sbr.rel @!p1 .LBB1_15-.Ltmp5, $3  }
0x93: {  	_ =	sdelay $0x1  }
0x94: {  	s28 =	sadd.s32 $0x81, s28;
	s29 =	sadd.s32 $0x81, s29;
	s30 =	sadd.s32 $0x81, s30  }
0x95: {  	s31 =	sadd.s32 $0x81, s31;
	s0 =	sadd.s32 $0x81, s0;
	s1 =	sadd.s32 $0x81, s1  }
.LBB1_4:
.Ltmp6:
0x96: {  	(pc) =	sbr.rel .LBB1_5-.Ltmp6, $4  }
0x97: {  	_ = 	snop  }
0x98: {  	s3 =	sshll.u32 s6, $0x10  }
0x99: {  	s3 =	sshra.s32 s3, $0x2  }
0x9a: {  	s5 =	simm.s32 $0x0;
	s4 =	sadd.s32 s3, s2;
	s3 =	simm.s32 $0x0  }
.LBB1_13:
0x9b: {  	s5 =	sadd.s32 $0x1, s5  }
0x9c: {  	p1 =	sne.s32 s5, s24  }
.Ltmp7:
0x9d: {  	_ = 	snop;
	(pc) =	sbr.rel @!p1 .LBB1_14-.Ltmp7, $2  }
0x9e: {  	_ =	sdelay $0x2  }
0x9f: {  	s3 =	sadd.s32 $0x1, s3  }
.LBB1_5:
0xa0: {  	s7 =	sand.u32 $0x7F, s3  }
0xa1: {  	s7 =	sshll.u32 s7, $0x2  }
0xa2: {  	s20 =	simm.s32 $0x0;
	s26 =	simm.s32 $0x0;
	s22 =	sshrl.u32 s7, $0x2  }
.LBB1_6:
0xa3: {  	s7 =	sadd.s32 s5, s26  }
0xa4: {  	s7 =	sshll.u32 s7, $0x9  }
0xa5: {  	s7 =	sshra.s32 s7, $0x2  }
0xa6: {  	s7 =	sadd.s32 s7, s4  }
0xa7: {  	v0 =	vmov s7;
	_ =	sdelay $0x3  }
0xa8: {  	s23 =	sand.u32 $0x1, s26;
	s14 =	sand.u32 $0x180, s20;
	p2 =	sne.s32 s27, $0x1  }
.Ltmp8:
0xa9: {  	p1 =	seq.s32 s23, $0x1;
	s7 =	simm.s32 $0x81;
	v10 =	vld.idx.msk [tilespmem:v0+s14+$0x50 ss:$0x1], $0xffff;
	(pc) =	sbr.rel @!p2 .LBB1_7-.Ltmp8, $4  }
0xaa: {  	s8 =	sadd.s32 $0xFFFFFFFF, s27;
	s7 =	simm.s32 @!p1 $0x0;
	v11 =	vld.idx.msk [tilespmem:v0+s14+$0x0 ss:$0x1], $0xffff  }
0xab: {  	s11 =	sadd.s32 s7, s28;
	s13 =	sadd.s32 s7, s29;
	s19 =	sadd.s32 s7, s30;
	v9 =	vld.idx.msk [tilespmem:v0+s14+$0x10 ss:$0x1], $0xffff  }
0xac: {  	s10 =	sadd.s32 s7, s31;
	s12 =	sadd.s32 s7, s0;
	s7 =	sadd.s32 s7, s1;
	v8 =	vld.idx.msk [tilespmem:v0+s14+$0x20 ss:$0x1], $0xffff  }
0xad: {  	s9 =	simm.s32 $0x80;
	p1 =	por $0x0, $0x0;
	s17 =	sadd.s32 s22, s7;
	v7 =	vld.idx.msk [tilespmem:v0+s14+$0x30 ss:$0x1], $0xffff  }
0xae: {  	_ =	sdelay $0x3  }
0xaf: {  	s18 =	sand.u32 $0x180, s9;
	v1 =	vld.idx.msk [tilespmem:v0+s14+$0x40 ss:$0x1], $0xffff;
	s16 =	sadd.s32 s22, s11;
	p2 =	sne.s32 s8, $0x1  }
.Ltmp9:
0xb0: {  	[tilespmem:s17+$0x0 ss:$0x81] =	vst.msk $0xffff, v10;
	s17 =	sadd.s32 s22, s13;
	s14 =	sadd.s32 $0xFFFFFFFF, s8;
	v2 =	vld.idx.msk [tilespmem:v0+s18+$0x50 ss:$0x1], $0xffff;
	(pc) =	sbr.rel @!p2 .LBB1_9-.Ltmp9, $4  }
0xb1: {  	s21 =	sadd.s32 s22, s19;
	s15 =	sadd.s32 $0x4080, s7;
	s11 =	sadd.s32 $0x4080, s11;
	v3 =	vld.idx.msk [tilespmem:v0+s18+$0x0 ss:$0x1], $0xffff;
	[tilespmem:s16+$0x0 ss:$0x81] =	vst.msk $0xffff, v11  }
0xb2: {  	s23 =	sadd.s32 s22, s10;
	s9 =	simm.s32 $0x100;
	p1 =	por $0x1, $0x1;
	v4 =	vld.idx.msk [tilespmem:v0+s18+$0x10 ss:$0x1], $0xffff;
	[tilespmem:s17+$0x0 ss:$0x81] =	vst.msk $0xffff, v9  }
0xb3: {  	s8 =	smov.u32 s19;
	s7 =	smov.u32 s10;
	v5 =	vld.idx.msk [tilespmem:v0+s18+$0x20 ss:$0x1], $0xffff;
	s16 =	smov.u32 s13;
	[tilespmem:s21+$0x0 ss:$0x81] =	vst.msk $0xffff, v8  }
0xb4: {  	v6 =	vld.idx.msk [tilespmem:v0+s18+$0x30 ss:$0x1], $0xffff;
	s17 =	sadd.s32 s22, s15;
	s21 =	smov.u32 s12;
	[tilespmem:s23+$0x0 ss:$0x81] =	vst.msk $0xffff, v7;
	s23 =	sadd.s32 s22, s12  }
.LBB1_10:
0xb5: {  	p2 =	sne.s32 s14, $0x1;
	s14 =	sadd.s32 $0xFFFFFFFF, s14;
	[tilespmem:s23+$0x0 ss:$0x81] =	vst.msk $0xffff, v1;
	v1 =	vld.idx.msk [tilespmem:v0+s18+$0x40 ss:$0x1], $0xffff;
	s18 =	sand.u32 $0x180, s9  }
.Ltmp10:
0xb6: {  	s23 =	sadd.s32 s22, s11;
	s16 =	sadd.s32 $0x4080, s16;
	[tilespmem:s17+$0x0 ss:$0x81] =	vst.msk $0xffff, v2;
	v2 =	vld.idx.msk [tilespmem:v0+s18+$0x50 ss:$0x1], $0xffff;
	(pc) =	sbr.rel @p2 .LBB1_10-.Ltmp10, $4  }
0xb7: {  	s8 =	sadd.s32 $0x4080, s8;
	s17 =	sadd.s32 s22, s16;
	[tilespmem:s23+$0x0 ss:$0x81] =	vst.msk $0xffff, v3;
	v3 =	vld.idx.msk [tilespmem:v0+s18+$0x0 ss:$0x1], $0xffff  }
0xb8: {  	s11 =	sadd.s32 $0x4080, s11;
	s7 =	sadd.s32 $0x4080, s7;
	[tilespmem:s17+$0x0 ss:$0x81] =	vst.msk $0xffff, v4;
	v4 =	vld.idx.msk [tilespmem:v0+s18+$0x10 ss:$0x1], $0xffff;
	s17 =	sadd.s32 s22, s8  }
0xb9: {  	s15 =	sadd.s32 $0x4080, s15;
	s21 =	sadd.s32 $0x4080, s21;
	s23 =	sadd.s32 s22, s7;
	[tilespmem:s17+$0x0 ss:$0x81] =	vst.msk $0xffff, v5;
	v5 =	vld.idx.msk [tilespmem:v0+s18+$0x20 ss:$0x1], $0xffff  }
0xba: {  	s9 =	sadd.s32 $0x80, s9;
	s17 =	sadd.s32 s22, s15;
	[tilespmem:s23+$0x0 ss:$0x81] =	vst.msk $0xffff, v6;
	v6 =	vld.idx.msk [tilespmem:v0+s18+$0x30 ss:$0x1], $0xffff;
	s23 =	sadd.s32 s22, s21  }
0xbb: {  	_ =	sdelay $0x3  }
0xbc: {  	s14 =	smov.u32 s18;
	v10 =	vmovc v2;
	v11 =	vmovc v3;
	v9 =	vmov v4;
	v8 =	vmov v5;
	v7 =	vmov v6  }
.LBB1_12:
0xbd: {  	_ = 	snop  }
0xbe: {  	s9 =	sadd.s32 @p1 $0x4080, s16;
	s11 =	sadd.s32 s22, s11  }
0xbf: {  	s8 =	sadd.s32 @p1 $0x4080, s8;
	s7 =	sadd.s32 @p1 $0x4080, s7;
	s26 =	sadd.s32 $0x1, s26  }
0xc0: {  	[tilespmem:s23+$0x0 ss:$0x81] =	vst.msk @p1 $0xffff, v1;
	s13 =	smov.u32 @p1 s9;
	s10 =	smov.u32 @p1 s7;
	s7 =	sadd.s32 @p1 $0x4080, s21  }
0xc1: {  	v0 =	vld.idx.msk [tilespmem:v0+s14+$0x40 ss:$0x1], $0xffff;
	[tilespmem:s17+$0x0 ss:$0x81] =	vst.msk $0xffff, v10;
	s19 =	smov.u32 @p1 s8;
	s12 =	smov.u32 @p1 s7;
	p1 =	sne.s32 s26, s25  }
.Ltmp11:
0xc2: {  	[tilespmem:s11+$0x0 ss:$0x81] =	vst.msk $0xffff, v11;
	s9 =	sadd.s32 s22, s13;
	(pc) =	sbr.rel @p1 .LBB1_6-.Ltmp11, $4  }
.Ltmp12:
0xc3: {  	s8 =	sadd.s32 s22, s19;
	[tilespmem:s9+$0x0 ss:$0x81] =	vst.msk $0xffff, v9;
	(pc) =	sbr.rel @!p1 .LBB1_13-.Ltmp12, $4  }
0xc4: {  	s23 =	sadd.s32 s22, s10;
	[tilespmem:s8+$0x0 ss:$0x81] =	vst.msk $0xffff, v8  }
0xc5: {  	[tilespmem:s23+$0x0 ss:$0x81] =	vst.msk $0xffff, v7;
	s7 =	sadd.s32 s22, s12  }
0xc6: {  	[tilespmem:s7+$0x0 ss:$0x81] =	vst.msk $0xffff, v0  }
0xc7: {  	_ = 	snop  }
.LBB1_7:
.Ltmp13:
0xc8: {  	(pc) =	sbr.rel .LBB1_12-.Ltmp13, $3  }
0xc9: {  	_ =	sdelay $0x1  }
0xca: {  	s16 =	smov.u32 s13  }
0xcb: {  	s8 =	smov.u32 s19;
	s7 =	smov.u32 s10;
	s21 =	smov.u32 s12  }
.LBB1_9:
.Ltmp14:
0xcc: {  	_ = 	snop;
	(pc) =	sbr.rel .LBB1_12-.Ltmp14, $3  }
0xcd: {  	_ =	sdelay $0x1  }
0xce: {  	s14 =	smov.u32 s18;
	s16 =	smov.u32 s13  }
0xcf: {  	v10 =	vmovc v2;
	s8 =	smov.u32 s19;
	s7 =	smov.u32 s10;
	s21 =	smov.u32 s12;
	v11 =	vmovc v3;
	v9 =	vmov v4;
	v8 =	vmov v5;
	v7 =	vmov v6  }
.LBB1_17:
0xd0: {  	_ =	sfence.sel $0x180000  }
0xd1: {  	s0 =	simm.s32 $0x1;
	[bflag:$0x0] =	sbarrier.arrive $0xFFFF  }
0xd2: {  	s30 =	simm.s32 $0x2;
	[sflag:s0] =	ssyncpa.u1 $0x1  }
0xd3: {  	[sflag:s30] =	ssyncpa.u1 $0x1  }
0xd4: {  	_ =	strace $0x9000004A  }
0xd5: {  	s31 =	stileid.u32;
	[bflag:$0x2] =	sbarrier.arrive $0xFFFF  }
0xd6: {  	p0 =	sne.s32 s31, $0x0;
	s0 =	rddreg [dreg:$0x2]  }
0xd7: {  	s0 =	sadd.s32 @!p0 $0x100000, s0  }
0xd8: {  	[sflag:s0] =	ssyncadd.tile.s32 @!p0 $0x1;
	_ =	shalt  }
.Lfunc_end1:
_tile_overlayer_lowered:
.L_overlay_start_2:
0xd9: {  	(tag) =	ssettag $0x2  }
0xda: {  	s0 =	rddreg [dreg:$0x0];
	s2 =	stileid.u32  }
0xdb: {  	s1 =	rddreg [dreg:$0x1];
	p0 =	sne.s32 s2, $0x0  }
0xdc: {  	s3 =	rddreg [dreg:$0x2];
	[bflag:$0x3] =	sbarrier.arrive $0xFFFF;
	s2 =	simm.s32 @!p0 $0x1C01  }
0xdd: {  	[timem:s3], [sflag:s2] =	dma.local @!p0 [hbm:s0], s1  }
0xde: {  	s0 =	simm.s32 @!p0 $0x1  }
0xdf: {  	_ =	swait.ge @!p0 [sflag:s0], s1  }
0xe0: {  	s1 =	ssub.s32 @!p0 $0x0, s1;
	[sflag:s0] =	ssyncset.done @!p0 $0x0  }
0xe1: {  	[sflag:s0] =	ssyncadd.s32 @!p0 s1  }
0xe2: {  	[bflag:$0x3] =	sbarrier.arrive $0xFFFF  }
0xe3: {  	_ =	shalt  }

</sc_bundles>
